<compile_context>
chip_gen: v7x
topology: tpu7x:2x2x1
jax: 0.10.2.dev20260603
libtpu: 0.0.44.dev20260713+nightly
codegen_flags: <defaults>
</compile_context>

<pallas_src>
import functools

import jax
import jax.numpy as jnp
from jax import lax
from jax.experimental import pallas as pl
from jax.experimental.pallas import tpu as pltpu
from jax.experimental.pallas import tpu_sc as plsc

NC = 2
NS = 16
NW = NC * NS
LANES = 16
CHUNK = 112
DRING = 6


@functools.partial(jax.jit, static_argnames=("n_nodes", "n_chunks", "d"))
def _sc_aggregate(x, sd, w, *, n_nodes, n_chunks, d):
    n_pad = -(-n_nodes // (NS * 8)) * (NS * 8)
    rows_per_tile = n_pad // NS
    rem = rows_per_tile % CHUNK
    full_blocks = rows_per_tile // CHUNK
    d_vregs = d // LANES

    mesh = plsc.VectorSubcoreMesh(core_axis_name="c", subcore_axis_name="s")

    @functools.partial(
        pl.kernel,
        out_type=jax.ShapeDtypeStruct((NC, n_pad, d), jnp.float32),
        mesh=mesh,
        scratch_types=[
            pltpu.VMEM((DRING, 2, CHUNK), jnp.int32),
            pltpu.VMEM((3, CHUNK), jnp.float32),
            pltpu.VMEM((CHUNK, d), jnp.float32),
            pltpu.VMEM((CHUNK, d), jnp.float32),
            pltpu.VMEM((CHUNK, d), jnp.float32),
            pltpu.VMEM_SHARED((n_pad, d), jnp.float32),
            pltpu.SemaphoreType.DMA,
            pltpu.SemaphoreType.DMA,
            pltpu.SemaphoreType.DMA,
            pltpu.SemaphoreType.DMA,
            pltpu.SemaphoreType.DMA,
            pltpu.SemaphoreType.DMA,
            pltpu.SemaphoreType.DMA,
            pltpu.SemaphoreType.DMA,
            pltpu.SemaphoreType.DMA,
            pltpu.SemaphoreType.DMA,
            pltpu.SemaphoreType.DMA,
            pltpu.SemaphoreType.DMA,
        ],
    )
    def k(x_hbm, sd_hbm, w_hbm, out_hbm, sd_v, w_v,
          rows0, rows1, rows2, h_sh,
          gs0, gs1, gs2, ss0, ss1, ss2, ms0, ms1, ms2, ws0, ws1, ws2):
        rows = [rows0, rows1, rows2]
        gs = [gs0, gs1, gs2]
        ss = [ss0, ss1, ss2]
        ms = [ms0, ms1, ms2]
        wsem = [ws0, ws1, ws2]
        cid = lax.axis_index("c")
        sid = lax.axis_index("s")
        wid = sid * NC + cid

        zero = jnp.zeros((LANES,), jnp.float32)

        @pl.loop(0, CHUNK)
        def _(i):
            for j in range(d_vregs):
                rows0[i, pl.ds(j * LANES, LANES)] = zero

        base = sid * rows_per_tile
        for kb in range(full_blocks):
            pltpu.sync_copy(rows0, h_sh.at[pl.ds(base + kb * CHUNK, CHUNK)])
        if rem:
            pltpu.sync_copy(rows0.at[pl.ds(0, rem)],
                            h_sh.at[pl.ds(base + full_blocks * CHUNK, rem)])
        plsc.subcore_barrier()

        def meta_copy(c, mslot):
            pltpu.async_copy(sd_hbm.at[wid, c], sd_v.at[c % DRING], ms[mslot])
            pltpu.async_copy(w_hbm.at[wid, c], w_v.at[mslot], wsem[mslot])

        def meta_wait(c, mslot):
            pltpu.make_async_copy(
                sd_hbm.at[wid, c], sd_v.at[c % DRING], ms[mslot]).wait()
            pltpu.make_async_copy(
                w_hbm.at[wid, c], w_v.at[mslot], wsem[mslot]).wait()

        def gather(c, b):
            pltpu.async_copy(x_hbm.at[sd_v.at[c % DRING, 0]], rows[b], gs[b])

        def gather_wait(c, b):
            pltpu.make_async_copy(
                x_hbm.at[sd_v.at[c % DRING, 0]], rows[b], gs[b]).wait()

        def scatter(c, b):
            pltpu.async_copy(rows[b], h_sh.at[sd_v.at[c % DRING, 1]], ss[b],
                             add=True)

        def scatter_wait(c, b):
            pltpu.make_async_copy(
                rows[b], h_sh.at[sd_v.at[c % DRING, 1]], ss[b]).wait()

        meta_copy(0, 0)
        meta_copy(1, 1)
        meta_wait(0, 0)
        gather(0, 0)

        @pl.loop(0, n_chunks // 3)
        def _(t):
            for b in range(3):
                c = 3 * t + b
                bn = (b + 1) % 3

                @pl.when(c + 2 < n_chunks)
                def _():
                    meta_copy(c + 2, (b + 2) % 3)

                @pl.when(c + 1 < n_chunks)
                def _():
                    meta_wait(c + 1, bn)
                    gather(c + 1, bn)

                gather_wait(c, b)



        plsc.subcore_barrier()
        pltpu.sync_copy(h_sh.at[pl.ds(base, rows_per_tile)],
                        out_hbm.at[cid, pl.ds(base, rows_per_tile)])

    return k(x, sd, w)


def _tc_finish_body(p_ref, w_ref, b_ref, o_ref):
    h = p_ref[0] + p_ref[1]
    acc = lax.dot_general(h, w_ref[...], (((1,), (1,)), ((), ())),
                          preferred_element_type=jnp.float32)
    o_ref[...] = jnp.maximum(acc + b_ref[...], 0.0)


@functools.partial(jax.jit, static_argnames=("bn", "n"))
def _tc_finish(partials, W, b2, *, bn, n):
    d_out = W.shape[0]
    grid = n // bn
    return pl.pallas_call(
        _tc_finish_body,
        grid=(grid,),
        in_specs=[
            pl.BlockSpec((2, bn, partials.shape[2]), lambda i: (0, i, 0)),
            pl.BlockSpec(W.shape, lambda i: (0, 0)),
            pl.BlockSpec(b2.shape, lambda i: (0, 0)),
        ],
        out_specs=pl.BlockSpec((bn, d_out), lambda i: (i, 0)),
        out_shape=jax.ShapeDtypeStruct((n, d_out), jnp.float32),
    )(partials, W, b2)


def kernel(x, edge_index, edge_w, W, b):
    n_nodes, d = x.shape
    e = edge_index.shape[1]
    per_super = NW * CHUNK
    n_chunks = -(-e // per_super)
    n_chunks = -(-n_chunks // 3) * 3
    e_pad = n_chunks * per_super
    pad = e_pad - e

    src = edge_index[0]
    dst = edge_index[1]
    if pad:
        zi = jnp.zeros((pad,), jnp.int32)
        src = jnp.concatenate([src, zi])
        dst = jnp.concatenate([dst, zi])
        edge_w = jnp.concatenate([edge_w, jnp.zeros((pad,), jnp.float32)])

    src = src.reshape(NW, n_chunks, CHUNK)
    dst = dst.reshape(NW, n_chunks, CHUNK)
    sd = jnp.stack([src, dst], axis=2)
    ww = edge_w.reshape(NW, n_chunks, CHUNK)

    partials = _sc_aggregate(x, sd, ww,
                             n_nodes=n_nodes, n_chunks=n_chunks, d=d)
    return _tc_finish(partials, W, b.reshape(1, -1), bn=1000, n=n_nodes)

# --- scband reference (transcript-rebuilt; emitter-appended) ---
"""Pipeline reference for scband-gcnlayer-36292473651564 (READ-ONLY COPY).

The authoritative reference and input builder live on the scoring server;
editing this copy changes nothing except your own understanding.
"""

import jax, jax.numpy as jnp
import numpy as np

N = 10000
E = 320000
D_IN = 128
D_OUT = 128


def setup_inputs(seed: int = 0) -> dict:
    key = jax.random.key(seed)
    k1, k2, k3, k4, k5 = jax.random.split(key, 5)
    x = jax.random.normal(k1, (N, D_IN), dtype=jnp.float32)
    edge_index = jax.random.randint(k2, (2, E), 0, N, dtype=jnp.int32)
    edge_w = jax.random.uniform(k3, (E,), dtype=jnp.float32)
    # Linear layer params (nn.Linear(in_feats, out_feats))
    bound = 1.0 / np.sqrt(D_IN)
    W = jax.random.uniform(k4, (D_OUT, D_IN), dtype=jnp.float32, minval=-bound, maxval=bound)
    b = jax.random.uniform(k5, (D_OUT,), dtype=jnp.float32, minval=-bound, maxval=bound)
    return {"x": x, "edge_index": edge_index, "edge_w": edge_w, "W": W, "b": b}


def reference(x, edge_index, edge_w, W, b):
    # gcn_msg: msg = src feature * edge weight  (gather over src nodes)
    src = edge_index[0]
    dst = edge_index[1]
    msg = jnp.take(x, src, axis=0) * edge_w[:, None]
    # fn.sum aggregation: scatter-add messages into dst nodes
    h = jax.ops.segment_sum(msg, dst, num_segments=N)
    # NodeApplyModule: linear + activation (dropout is identity in eval mode)
    out = h @ W.T + b
    return jax.nn.relu(out)

if __name__ == "__main__":
    import jax
    _d = setup_inputs()
    print(jax.jit(kernel)(*tuple(_d.values())))

</pallas_src>

<mosaic_0001>
#map = affine_map<(d0, d1) -> (0, 0)>
#map1 = affine_map<(d0, d1) -> (0, 0, 0, 0)>
#map2 = affine_map<(d0, d1) -> (0, 0, 0)>
module attributes {stable_mosaic.version = 14 : i64} {
  func.func @k(%arg0: i32, %arg1: i32, %arg2: memref<10000x128xf32, #tpu.memory_space<hbm>>, %arg3: memref<32x90x2x112xi32, #tpu.memory_space<hbm>>, %arg4: memref<32x90x112xf32, #tpu.memory_space<hbm>>, %arg5: memref<2x10112x128xf32, #tpu.memory_space<hbm>>, %arg6: memref<6x2x112xi32, #tpu.memory_space<vmem>>, %arg7: memref<3x112xf32, #tpu.memory_space<vmem>>, %arg8: memref<112x128xf32, #tpu.memory_space<vmem>>, %arg9: memref<112x128xf32, #tpu.memory_space<vmem>>, %arg10: memref<112x128xf32, #tpu.memory_space<vmem>>, %arg11: memref<10112x128xf32, #tpu.memory_space<vmem_shared>>, %arg12: memref<!tpu.dma_semaphore, #tpu.memory_space<semaphore_mem>>, %arg13: memref<!tpu.dma_semaphore, #tpu.memory_space<semaphore_mem>>, %arg14: memref<!tpu.dma_semaphore, #tpu.memory_space<semaphore_mem>>, %arg15: memref<!tpu.dma_semaphore, #tpu.memory_space<semaphore_mem>>, %arg16: memref<!tpu.dma_semaphore, #tpu.memory_space<semaphore_mem>>, %arg17: memref<!tpu.dma_semaphore, #tpu.memory_space<semaphore_mem>>, %arg18: memref<!tpu.dma_semaphore, #tpu.memory_space<semaphore_mem>>, %arg19: memref<!tpu.dma_semaphore, #tpu.memory_space<semaphore_mem>>, %arg20: memref<!tpu.dma_semaphore, #tpu.memory_space<semaphore_mem>>, %arg21: memref<!tpu.dma_semaphore, #tpu.memory_space<semaphore_mem>>, %arg22: memref<!tpu.dma_semaphore, #tpu.memory_space<semaphore_mem>>, %arg23: memref<!tpu.dma_semaphore, #tpu.memory_space<semaphore_mem>>) attributes {dimension_semantics = [#tpu.dimension_semantics<core_parallel>, #tpu.dimension_semantics<subcore_parallel>], iteration_bounds = array<i64: 2, 16>, scalar_prefetch = 0 : i64, scratch_operands = 18 : i64, tpu.core_type = #tpu.core_type<sc_vector_subcore>, window_params = [{transform_indices = #map}, {transform_indices = #map1}, {transform_indices = #map2}, {transform_indices = #map2}]} {
    %mul3A = arith.constant 2 : i32
    %mul3A_0 = arith.muli %arg1, %mul3A : i32
    %add3A = arith.addi %mul3A_0, %arg0 : i32
    %broadcast_in_dim3A = arith.constant 0.000000e+00 : f32
    %broadcast_in_dim3A_1 = vector.broadcast %broadcast_in_dim3A : f32 to vector<16xf32>
    %scan3A = arith.constant 0 : i32
    %scan3A_2 = arith.constant 112 : i32
    %scan3A_3 = arith.addi %scan3A, %scan3A_2 : i32
    %scan3A_4 = arith.constant 1 : i32
    scf.for %scan3A_128 = %scan3A to %scan3A_3 step %scan3A_4  : i32 {
      %mul3A_129 = arith.constant 1 : i32
      %mul3A_130 = arith.muli %scan3A_128, %mul3A_129 : i32
      %add3A_131 = arith.constant 0 : i32
      %add3A_132 = arith.addi %add3A_131, %mul3A_130 : i32
      %swap3A = arith.index_cast %add3A_132 : i32 to index
      %swap3A_133 = arith.constant 0 : index
      %swap3A_134 = tpu.vector_load %arg8[%swap3A, %swap3A_133] {strides = array<i32>} : memref<112x128xf32, #tpu.memory_space<vmem>>, vector<1x16xf32>,
      %swap3A_135 = vector.shape_cast %swap3A_134 : vector<1x16xf32> to vector<16xf32>
      %swap3A_136 = vector.shape_cast %broadcast_in_dim3A_1 : vector<16xf32> to vector<1x16xf32>
      tpu.vector_store %arg8[%swap3A, %swap3A_133], %swap3A_136 {strides = array<i32>} : memref<112x128xf32, #tpu.memory_space<vmem>>, vector<1x16xf32>,
      %swap3A_137 = arith.index_cast %add3A_132 : i32 to index
      %swap3A_138 = arith.constant 16 : index
      %swap3A_139 = tpu.vector_load %arg8[%swap3A_137, %swap3A_138] {strides = array<i32>} : memref<112x128xf32, #tpu.memory_space<vmem>>, vector<1x16xf32>,
      %swap3A_140 = vector.shape_cast %swap3A_139 : vector<1x16xf32> to vector<16xf32>
      %swap3A_141 = vector.shape_cast %broadcast_in_dim3A_1 : vector<16xf32> to vector<1x16xf32>
      tpu.vector_store %arg8[%swap3A_137, %swap3A_138], %swap3A_141 {strides = array<i32>} : memref<112x128xf32, #tpu.memory_space<vmem>>, vector<1x16xf32>,
      %swap3A_142 = arith.index_cast %add3A_132 : i32 to index
      %swap3A_143 = arith.constant 32 : index
      %swap3A_144 = tpu.vector_load %arg8[%swap3A_142, %swap3A_143] {strides = array<i32>} : memref<112x128xf32, #tpu.memory_space<vmem>>, vector<1x16xf32>,
      %swap3A_145 = vector.shape_cast %swap3A_144 : vector<1x16xf32> to vector<16xf32>
      %swap3A_146 = vector.shape_cast %broadcast_in_dim3A_1 : vector<16xf32> to vector<1x16xf32>
      tpu.vector_store %arg8[%swap3A_142, %swap3A_143], %swap3A_146 {strides = array<i32>} : memref<112x128xf32, #tpu.memory_space<vmem>>, vector<1x16xf32>,
      %swap3A_147 = arith.index_cast %add3A_132 : i32 to index
      %swap3A_148 = arith.constant 48 : index
      %swap3A_149 = tpu.vector_load %arg8[%swap3A_147, %swap3A_148] {strides = array<i32>} : memref<112x128xf32, #tpu.memory_space<vmem>>, vector<1x16xf32>,
      %swap3A_150 = vector.shape_cast %swap3A_149 : vector<1x16xf32> to vector<16xf32>
      %swap3A_151 = vector.shape_cast %broadcast_in_dim3A_1 : vector<16xf32> to vector<1x16xf32>
      tpu.vector_store %arg8[%swap3A_147, %swap3A_148], %swap3A_151 {strides = array<i32>} : memref<112x128xf32, #tpu.memory_space<vmem>>, vector<1x16xf32>,
      %swap3A_152 = arith.index_cast %add3A_132 : i32 to index
      %swap3A_153 = arith.constant 64 : index
      %swap3A_154 = tpu.vector_load %arg8[%swap3A_152, %swap3A_153] {strides = array<i32>} : memref<112x128xf32, #tpu.memory_space<vmem>>, vector<1x16xf32>,
      %swap3A_155 = vector.shape_cast %swap3A_154 : vector<1x16xf32> to vector<16xf32>
      %swap3A_156 = vector.shape_cast %broadcast_in_dim3A_1 : vector<16xf32> to vector<1x16xf32>
      tpu.vector_store %arg8[%swap3A_152, %swap3A_153], %swap3A_156 {strides = array<i32>} : memref<112x128xf32, #tpu.memory_space<vmem>>, vector<1x16xf32>,
      %swap3A_157 = arith.index_cast %add3A_132 : i32 to index
      %swap3A_158 = arith.constant 80 : index
      %swap3A_159 = tpu.vector_load %arg8[%swap3A_157, %swap3A_158] {strides = array<i32>} : memref<112x128xf32, #tpu.memory_space<vmem>>, vector<1x16xf32>,
      %swap3A_160 = vector.shape_cast %swap3A_159 : vector<1x16xf32> to vector<16xf32>
      %swap3A_161 = vector.shape_cast %broadcast_in_dim3A_1 : vector<16xf32> to vector<1x16xf32>
      tpu.vector_store %arg8[%swap3A_157, %swap3A_158], %swap3A_161 {strides = array<i32>} : memref<112x128xf32, #tpu.memory_space<vmem>>, vector<1x16xf32>,
      %swap3A_162 = arith.index_cast %add3A_132 : i32 to index
      %swap3A_163 = arith.constant 96 : index
      %swap3A_164 = tpu.vector_load %arg8[%swap3A_162, %swap3A_163] {strides = array<i32>} : memref<112x128xf32, #tpu.memory_space<vmem>>, vector<1x16xf32>,
      %swap3A_165 = vector.shape_cast %swap3A_164 : vector<1x16xf32> to vector<16xf32>
      %swap3A_166 = vector.shape_cast %broadcast_in_dim3A_1 : vector<16xf32> to vector<1x16xf32>
      tpu.vector_store %arg8[%swap3A_162, %swap3A_163], %swap3A_166 {strides = array<i32>} : memref<112x128xf32, #tpu.memory_space<vmem>>, vector<1x16xf32>,
      %swap3A_167 = arith.index_cast %add3A_132 : i32 to index
      %swap3A_168 = arith.constant 112 : index
      %swap3A_169 = tpu.vector_load %arg8[%swap3A_167, %swap3A_168] {strides = array<i32>} : memref<112x128xf32, #tpu.memory_space<vmem>>, vector<1x16xf32>,
      %swap3A_170 = vector.shape_cast %swap3A_169 : vector<1x16xf32> to vector<16xf32>
      %swap3A_171 = vector.shape_cast %broadcast_in_dim3A_1 : vector<16xf32> to vector<1x16xf32>
      tpu.vector_store %arg8[%swap3A_167, %swap3A_168], %swap3A_171 {strides = array<i32>} : memref<112x128xf32, #tpu.memory_space<vmem>>, vector<1x16xf32>,
    }
    %scan3A_5 = arith.constant 112 : i32
    %mul3A_6 = arith.constant 632 : i32
    %mul3A_7 = arith.muli %arg1, %mul3A_6 : i32
    %add3A_8 = arith.constant 0 : i32
    %add3A_9 = arith.addi %mul3A_7, %add3A_8 : i32
    "tpu.region"() ({
      %run_scoped3A = tpu.sem_alloc : memref<!tpu.dma_semaphore, #tpu.memory_space<semaphore_mem>>
      %dma_start3A_128 = arith.constant 0 : i32
      %dma_start3A_129 = tpu.memref_slice %arg11[%add3A_9, %dma_start3A_128] : memref<10112x128xf32, #tpu.memory_space<vmem_shared>> -> memref<112x128xf32, #tpu.memory_space<vmem_shared>>
      %dma_start3A_130 = arith.constant 0 : i32
      %dma_start3A_131 = tpu.memref_slice %arg11[%add3A_9, %dma_start3A_130] : memref<10112x128xf32, #tpu.memory_space<vmem_shared>> -> memref<112x128xf32, #tpu.memory_space<vmem_shared>>
      tpu.enqueue_dma source(%arg8 : memref<112x128xf32, #tpu.memory_space<vmem>>) target(%dma_start3A_131 : memref<112x128xf32, #tpu.memory_space<vmem_shared>>) target_semaphore(%run_scoped3A : memref<!tpu.dma_semaphore, #tpu.memory_space<semaphore_mem>>)
      %dma_wait3A_132 = arith.constant 0 : i32
      %dma_wait3A_133 = tpu.memref_slice %arg11[%add3A_9, %dma_wait3A_132] : memref<10112x128xf32, #tpu.memory_space<vmem_shared>> -> memref<112x128xf32, #tpu.memory_space<vmem_shared>>
      %dma_wait3A_134 = arith.constant 0 : i32
      %dma_wait3A_135 = tpu.memref_slice %arg11[%add3A_9, %dma_wait3A_134] : memref<10112x128xf32, #tpu.memory_space<vmem_shared>> -> memref<112x128xf32, #tpu.memory_space<vmem_shared>>
      tpu.wait_dma2 semaphore(%run_scoped3A : memref<!tpu.dma_semaphore, #tpu.memory_space<semaphore_mem>>) src(%arg8 : memref<112x128xf32, #tpu.memory_space<vmem>>) dst(%dma_wait3A_135 : memref<112x128xf32, #tpu.memory_space<vmem_shared>>)
      tpu.yield
    }) : () -> ()
    %add3A_10 = arith.constant 112 : i32
    %add3A_11 = arith.addi %mul3A_7, %add3A_10 : i32
    "tpu.region"() ({
      %run_scoped3A = tpu.sem_alloc : memref<!tpu.dma_semaphore, #tpu.memory_space<semaphore_mem>>
      %dma_start3A_128 = arith.constant 0 : i32
      %dma_start3A_129 = tpu.memref_slice %arg11[%add3A_11, %dma_start3A_128] : memref<10112x128xf32, #tpu.memory_space<vmem_shared>> -> memref<112x128xf32, #tpu.memory_space<vmem_shared>>
      %dma_start3A_130 = arith.constant 0 : i32
      %dma_start3A_131 = tpu.memref_slice %arg11[%add3A_11, %dma_start3A_130] : memref<10112x128xf32, #tpu.memory_space<vmem_shared>> -> memref<112x128xf32, #tpu.memory_space<vmem_shared>>
      tpu.enqueue_dma source(%arg8 : memref<112x128xf32, #tpu.memory_space<vmem>>) target(%dma_start3A_131 : memref<112x128xf32, #tpu.memory_space<vmem_shared>>) target_semaphore(%run_scoped3A : memref<!tpu.dma_semaphore, #tpu.memory_space<semaphore_mem>>)
      %dma_wait3A_132 = arith.constant 0 : i32
      %dma_wait3A_133 = tpu.memref_slice %arg11[%add3A_11, %dma_wait3A_132] : memref<10112x128xf32, #tpu.memory_space<vmem_shared>> -> memref<112x128xf32, #tpu.memory_space<vmem_shared>>
      %dma_wait3A_134 = arith.constant 0 : i32
      %dma_wait3A_135 = tpu.memref_slice %arg11[%add3A_11, %dma_wait3A_134] : memref<10112x128xf32, #tpu.memory_space<vmem_shared>> -> memref<112x128xf32, #tpu.memory_space<vmem_shared>>
      tpu.wait_dma2 semaphore(%run_scoped3A : memref<!tpu.dma_semaphore, #tpu.memory_space<semaphore_mem>>) src(%arg8 : memref<112x128xf32, #tpu.memory_space<vmem>>) dst(%dma_wait3A_135 : memref<112x128xf32, #tpu.memory_space<vmem_shared>>)
      tpu.yield
    }) : () -> ()
    %add3A_12 = arith.constant 224 : i32
    %add3A_13 = arith.addi %mul3A_7, %add3A_12 : i32
    "tpu.region"() ({
      %run_scoped3A = tpu.sem_alloc : memref<!tpu.dma_semaphore, #tpu.memory_space<semaphore_mem>>
      %dma_start3A_128 = arith.constant 0 : i32
      %dma_start3A_129 = tpu.memref_slice %arg11[%add3A_13, %dma_start3A_128] : memref<10112x128xf32, #tpu.memory_space<vmem_shared>> -> memref<112x128xf32, #tpu.memory_space<vmem_shared>>
      %dma_start3A_130 = arith.constant 0 : i32
      %dma_start3A_131 = tpu.memref_slice %arg11[%add3A_13, %dma_start3A_130] : memref<10112x128xf32, #tpu.memory_space<vmem_shared>> -> memref<112x128xf32, #tpu.memory_space<vmem_shared>>
      tpu.enqueue_dma source(%arg8 : memref<112x128xf32, #tpu.memory_space<vmem>>) target(%dma_start3A_131 : memref<112x128xf32, #tpu.memory_space<vmem_shared>>) target_semaphore(%run_scoped3A : memref<!tpu.dma_semaphore, #tpu.memory_space<semaphore_mem>>)
      %dma_wait3A_132 = arith.constant 0 : i32
      %dma_wait3A_133 = tpu.memref_slice %arg11[%add3A_13, %dma_wait3A_132] : memref<10112x128xf32, #tpu.memory_space<vmem_shared>> -> memref<112x128xf32, #tpu.memory_space<vmem_shared>>
      %dma_wait3A_134 = arith.constant 0 : i32
      %dma_wait3A_135 = tpu.memref_slice %arg11[%add3A_13, %dma_wait3A_134] : memref<10112x128xf32, #tpu.memory_space<vmem_shared>> -> memref<112x128xf32, #tpu.memory_space<vmem_shared>>
      tpu.wait_dma2 semaphore(%run_scoped3A : memref<!tpu.dma_semaphore, #tpu.memory_space<semaphore_mem>>) src(%arg8 : memref<112x128xf32, #tpu.memory_space<vmem>>) dst(%dma_wait3A_135 : memref<112x128xf32, #tpu.memory_space<vmem_shared>>)
      tpu.yield
    }) : () -> ()
    %add3A_14 = arith.constant 336 : i32
    %add3A_15 = arith.addi %mul3A_7, %add3A_14 : i32
    "tpu.region"() ({
      %run_scoped3A = tpu.sem_alloc : memref<!tpu.dma_semaphore, #tpu.memory_space<semaphore_mem>>
      %dma_start3A_128 = arith.constant 0 : i32
      %dma_start3A_129 = tpu.memref_slice %arg11[%add3A_15, %dma_start3A_128] : memref<10112x128xf32, #tpu.memory_space<vmem_shared>> -> memref<112x128xf32, #tpu.memory_space<vmem_shared>>
      %dma_start3A_130 = arith.constant 0 : i32
      %dma_start3A_131 = tpu.memref_slice %arg11[%add3A_15, %dma_start3A_130] : memref<10112x128xf32, #tpu.memory_space<vmem_shared>> -> memref<112x128xf32, #tpu.memory_space<vmem_shared>>
      tpu.enqueue_dma source(%arg8 : memref<112x128xf32, #tpu.memory_space<vmem>>) target(%dma_start3A_131 : memref<112x128xf32, #tpu.memory_space<vmem_shared>>) target_semaphore(%run_scoped3A : memref<!tpu.dma_semaphore, #tpu.memory_space<semaphore_mem>>)
      %dma_wait3A_132 = arith.constant 0 : i32
      %dma_wait3A_133 = tpu.memref_slice %arg11[%add3A_15, %dma_wait3A_132] : memref<10112x128xf32, #tpu.memory_space<vmem_shared>> -> memref<112x128xf32, #tpu.memory_space<vmem_shared>>
      %dma_wait3A_134 = arith.constant 0 : i32
      %dma_wait3A_135 = tpu.memref_slice %arg11[%add3A_15, %dma_wait3A_134] : memref<10112x128xf32, #tpu.memory_space<vmem_shared>> -> memref<112x128xf32, #tpu.memory_space<vmem_shared>>
      tpu.wait_dma2 semaphore(%run_scoped3A : memref<!tpu.dma_semaphore, #tpu.memory_space<semaphore_mem>>) src(%arg8 : memref<112x128xf32, #tpu.memory_space<vmem>>) dst(%dma_wait3A_135 : memref<112x128xf32, #tpu.memory_space<vmem_shared>>)
      tpu.yield
    }) : () -> ()
    %add3A_16 = arith.constant 448 : i32
    %add3A_17 = arith.addi %mul3A_7, %add3A_16 : i32
    "tpu.region"() ({
      %run_scoped3A = tpu.sem_alloc : memref<!tpu.dma_semaphore, #tpu.memory_space<semaphore_mem>>
      %dma_start3A_128 = arith.constant 0 : i32
      %dma_start3A_129 = tpu.memref_slice %arg11[%add3A_17, %dma_start3A_128] : memref<10112x128xf32, #tpu.memory_space<vmem_shared>> -> memref<112x128xf32, #tpu.memory_space<vmem_shared>>
      %dma_start3A_130 = arith.constant 0 : i32
      %dma_start3A_131 = tpu.memref_slice %arg11[%add3A_17, %dma_start3A_130] : memref<10112x128xf32, #tpu.memory_space<vmem_shared>> -> memref<112x128xf32, #tpu.memory_space<vmem_shared>>
      tpu.enqueue_dma source(%arg8 : memref<112x128xf32, #tpu.memory_space<vmem>>) target(%dma_start3A_131 : memref<112x128xf32, #tpu.memory_space<vmem_shared>>) target_semaphore(%run_scoped3A : memref<!tpu.dma_semaphore, #tpu.memory_space<semaphore_mem>>)
      %dma_wait3A_132 = arith.constant 0 : i32
      %dma_wait3A_133 = tpu.memref_slice %arg11[%add3A_17, %dma_wait3A_132] : memref<10112x128xf32, #tpu.memory_space<vmem_shared>> -> memref<112x128xf32, #tpu.memory_space<vmem_shared>>
      %dma_wait3A_134 = arith.constant 0 : i32
      %dma_wait3A_135 = tpu.memref_slice %arg11[%add3A_17, %dma_wait3A_134] : memref<10112x128xf32, #tpu.memory_space<vmem_shared>> -> memref<112x128xf32, #tpu.memory_space<vmem_shared>>
      tpu.wait_dma2 semaphore(%run_scoped3A : memref<!tpu.dma_semaphore, #tpu.memory_space<semaphore_mem>>) src(%arg8 : memref<112x128xf32, #tpu.memory_space<vmem>>) dst(%dma_wait3A_135 : memref<112x128xf32, #tpu.memory_space<vmem_shared>>)
      tpu.yield
    }) : () -> ()
    %add3A_18 = arith.constant 560 : i32
    %add3A_19 = arith.addi %mul3A_7, %add3A_18 : i32
    "tpu.region"() ({
      %run_scoped3A = tpu.sem_alloc : memref<!tpu.dma_semaphore, #tpu.memory_space<semaphore_mem>>
      %dma_start3A_128 = arith.constant 0 : i32
      %dma_start3A_129 = arith.constant 0 : i32
      %dma_start3A_130 = tpu.memref_slice %arg8[%dma_start3A_128, %dma_start3A_129] : memref<112x128xf32, #tpu.memory_space<vmem>> -> memref<72x128xf32, #tpu.memory_space<vmem>>
      %dma_start3A_131 = arith.constant 0 : i32
      %dma_start3A_132 = tpu.memref_slice %arg11[%add3A_19, %dma_start3A_131] : memref<10112x128xf32, #tpu.memory_space<vmem_shared>> -> memref<72x128xf32, #tpu.memory_space<vmem_shared>>
      %dma_start3A_133 = arith.constant 0 : i32
      %dma_start3A_134 = tpu.memref_slice %arg11[%add3A_19, %dma_start3A_133] : memref<10112x128xf32, #tpu.memory_space<vmem_shared>> -> memref<72x128xf32, #tpu.memory_space<vmem_shared>>
      %dma_start3A_135 = arith.constant 0 : i32
      %dma_start3A_136 = arith.constant 0 : i32
      %dma_start3A_137 = tpu.memref_slice %arg8[%dma_start3A_135, %dma_start3A_136] : memref<112x128xf32, #tpu.memory_space<vmem>> -> memref<72x128xf32, #tpu.memory_space<vmem>>
      tpu.enqueue_dma source(%dma_start3A_137 : memref<72x128xf32, #tpu.memory_space<vmem>>) target(%dma_start3A_134 : memref<72x128xf32, #tpu.memory_space<vmem_shared>>) target_semaphore(%run_scoped3A : memref<!tpu.dma_semaphore, #tpu.memory_space<semaphore_mem>>)
      %dma_wait3A_138 = arith.constant 0 : i32
      %dma_wait3A_139 = arith.constant 0 : i32
      %dma_wait3A_140 = tpu.memref_slice %arg8[%dma_wait3A_138, %dma_wait3A_139] : memref<112x128xf32, #tpu.memory_space<vmem>> -> memref<72x128xf32, #tpu.memory_space<vmem>>
      %dma_wait3A_141 = arith.constant 0 : i32
      %dma_wait3A_142 = tpu.memref_slice %arg11[%add3A_19, %dma_wait3A_141] : memref<10112x128xf32, #tpu.memory_space<vmem_shared>> -> memref<72x128xf32, #tpu.memory_space<vmem_shared>>
      %dma_wait3A_143 = arith.constant 0 : i32
      %dma_wait3A_144 = tpu.memref_slice %arg11[%add3A_19, %dma_wait3A_143] : memref<10112x128xf32, #tpu.memory_space<vmem_shared>> -> memref<72x128xf32, #tpu.memory_space<vmem_shared>>
      %dma_wait3A_145 = arith.constant 0 : i32
      %dma_wait3A_146 = arith.constant 0 : i32
      %dma_wait3A_147 = tpu.memref_slice %arg8[%dma_wait3A_145, %dma_wait3A_146] : memref<112x128xf32, #tpu.memory_space<vmem>> -> memref<72x128xf32, #tpu.memory_space<vmem>>
      tpu.wait_dma2 semaphore(%run_scoped3A : memref<!tpu.dma_semaphore, #tpu.memory_space<semaphore_mem>>) src(%dma_wait3A_147 : memref<72x128xf32, #tpu.memory_space<vmem>>) dst(%dma_wait3A_144 : memref<72x128xf32, #tpu.memory_space<vmem_shared>>)
      tpu.yield
    }) : () -> ()
    %barrier3A = arith.constant 0 : index
    tpu.barrier barrier_id(%barrier3A)
    %dma_start3A = arith.constant 0 : i32
    %dma_start3A_20 = arith.constant 0 : i32
    %dma_start3A_21 = arith.constant 0 : i32
    %dma_start3A_22 = arith.constant 0 : i32
    %dma_start3A_23 = tpu.memref_slice %arg6[%dma_start3A_20, %dma_start3A_21, %dma_start3A_22] : memref<6x2x112xi32, #tpu.memory_space<vmem>> -> memref<1x2x112xi32, #tpu.memory_space<vmem>>
    %dma_start3A_24 = tpu.memref_squeeze %dma_start3A_23 : memref<1x2x112xi32, #tpu.memory_space<vmem>> -> memref<2x112xi32, #tpu.memory_space<vmem>>
    %dma_start3A_25 = arith.constant 0 : i32
    %dma_start3A_26 = arith.constant 0 : i32
    %dma_start3A_27 = tpu.memref_slice %arg3[%add3A, %dma_start3A, %dma_start3A_25, %dma_start3A_26] : memref<32x90x2x112xi32, #tpu.memory_space<hbm>> -> memref<1x1x2x112xi32, #tpu.memory_space<hbm>>
    %dma_start3A_28 = tpu.memref_squeeze %dma_start3A_27 : memref<1x1x2x112xi32, #tpu.memory_space<hbm>> -> memref<2x112xi32, #tpu.memory_space<hbm>>
    %dma_start3A_29 = arith.constant 0 : i32
    %dma_start3A_30 = arith.constant 0 : i32
    %dma_start3A_31 = tpu.memref_slice %arg6[%dma_start3A_20, %dma_start3A_29, %dma_start3A_30] : memref<6x2x112xi32, #tpu.memory_space<vmem>> -> memref<1x2x112xi32, #tpu.memory_space<vmem>>
    %dma_start3A_32 = tpu.memref_squeeze %dma_start3A_31 : memref<1x2x112xi32, #tpu.memory_space<vmem>> -> memref<2x112xi32, #tpu.memory_space<vmem>>
    %dma_start3A_33 = arith.constant 0 : i32
    %dma_start3A_34 = arith.constant 0 : i32
    %dma_start3A_35 = tpu.memref_slice %arg3[%add3A, %dma_start3A, %dma_start3A_33, %dma_start3A_34] : memref<32x90x2x112xi32, #tpu.memory_space<hbm>> -> memref<1x1x2x112xi32, #tpu.memory_space<hbm>>
    %dma_start3A_36 = tpu.memref_squeeze %dma_start3A_35 : memref<1x1x2x112xi32, #tpu.memory_space<hbm>> -> memref<2x112xi32, #tpu.memory_space<hbm>>
    tpu.enqueue_dma source(%dma_start3A_36 : memref<2x112xi32, #tpu.memory_space<hbm>>) target(%dma_start3A_32 : memref<2x112xi32, #tpu.memory_space<vmem>>) target_semaphore(%arg18 : memref<!tpu.dma_semaphore, #tpu.memory_space<semaphore_mem>>)
    %dma_start3A_37 = arith.constant 0 : i32
    %dma_start3A_38 = arith.constant 0 : i32
    %dma_start3A_39 = arith.constant 0 : i32
    %dma_start3A_40 = tpu.memref_slice %arg7[%dma_start3A_38, %dma_start3A_39] : memref<3x112xf32, #tpu.memory_space<vmem>> -> memref<1x112xf32, #tpu.memory_space<vmem>>
    %dma_start3A_41 = tpu.memref_squeeze %dma_start3A_40 : memref<1x112xf32, #tpu.memory_space<vmem>> -> memref<112xf32, #tpu.memory_space<vmem>>
    %dma_start3A_42 = arith.constant 0 : i32
    %dma_start3A_43 = tpu.memref_slice %arg4[%add3A, %dma_start3A_37, %dma_start3A_42] : memref<32x90x112xf32, #tpu.memory_space<hbm>> -> memref<1x1x112xf32, #tpu.memory_space<hbm>>
    %dma_start3A_44 = tpu.memref_squeeze %dma_start3A_43 : memref<1x1x112xf32, #tpu.memory_space<hbm>> -> memref<112xf32, #tpu.memory_space<hbm>>
    %dma_start3A_45 = arith.constant 0 : i32
    %dma_start3A_46 = tpu.memref_slice %arg7[%dma_start3A_38, %dma_start3A_45] : memref<3x112xf32, #tpu.memory_space<vmem>> -> memref<1x112xf32, #tpu.memory_space<vmem>>
    %dma_start3A_47 = tpu.memref_squeeze %dma_start3A_46 : memref<1x112xf32, #tpu.memory_space<vmem>> -> memref<112xf32, #tpu.memory_space<vmem>>
    %dma_start3A_48 = arith.constant 0 : i32
    %dma_start3A_49 = tpu.memref_slice %arg4[%add3A, %dma_start3A_37, %dma_start3A_48] : memref<32x90x112xf32, #tpu.memory_space<hbm>> -> memref<1x1x112xf32, #tpu.memory_space<hbm>>
    %dma_start3A_50 = tpu.memref_squeeze %dma_start3A_49 : memref<1x1x112xf32, #tpu.memory_space<hbm>> -> memref<112xf32, #tpu.memory_space<hbm>>
    tpu.enqueue_dma source(%dma_start3A_50 : memref<112xf32, #tpu.memory_space<hbm>>) target(%dma_start3A_47 : memref<112xf32, #tpu.memory_space<vmem>>) target_semaphore(%arg21 : memref<!tpu.dma_semaphore, #tpu.memory_space<semaphore_mem>>)
    %dma_start3A_51 = arith.constant 1 : i32
    %dma_start3A_52 = arith.constant 1 : i32
    %dma_start3A_53 = arith.constant 0 : i32
    %dma_start3A_54 = arith.constant 0 : i32
    %dma_start3A_55 = tpu.memref_slice %arg6[%dma_start3A_52, %dma_start3A_53, %dma_start3A_54] : memref<6x2x112xi32, #tpu.memory_space<vmem>> -> memref<1x2x112xi32, #tpu.memory_space<vmem>>
    %dma_start3A_56 = tpu.memref_squeeze %dma_start3A_55 : memref<1x2x112xi32, #tpu.memory_space<vmem>> -> memref<2x112xi32, #tpu.memory_space<vmem>>
    %dma_start3A_57 = arith.constant 0 : i32
    %dma_start3A_58 = arith.constant 0 : i32
    %dma_start3A_59 = tpu.memref_slice %arg3[%add3A, %dma_start3A_51, %dma_start3A_57, %dma_start3A_58] : memref<32x90x2x112xi32, #tpu.memory_space<hbm>> -> memref<1x1x2x112xi32, #tpu.memory_space<hbm>>
    %dma_start3A_60 = tpu.memref_squeeze %dma_start3A_59 : memref<1x1x2x112xi32, #tpu.memory_space<hbm>> -> memref<2x112xi32, #tpu.memory_space<hbm>>
    %dma_start3A_61 = arith.constant 0 : i32
    %dma_start3A_62 = arith.constant 0 : i32
    %dma_start3A_63 = tpu.memref_slice %arg6[%dma_start3A_52, %dma_start3A_61, %dma_start3A_62] : memref<6x2x112xi32, #tpu.memory_space<vmem>> -> memref<1x2x112xi32, #tpu.memory_space<vmem>>
    %dma_start3A_64 = tpu.memref_squeeze %dma_start3A_63 : memref<1x2x112xi32, #tpu.memory_space<vmem>> -> memref<2x112xi32, #tpu.memory_space<vmem>>
    %dma_start3A_65 = arith.constant 0 : i32
    %dma_start3A_66 = arith.constant 0 : i32
    %dma_start3A_67 = tpu.memref_slice %arg3[%add3A, %dma_start3A_51, %dma_start3A_65, %dma_start3A_66] : memref<32x90x2x112xi32, #tpu.memory_space<hbm>> -> memref<1x1x2x112xi32, #tpu.memory_space<hbm>>
    %dma_start3A_68 = tpu.memref_squeeze %dma_start3A_67 : memref<1x1x2x112xi32, #tpu.memory_space<hbm>> -> memref<2x112xi32, #tpu.memory_space<hbm>>
    tpu.enqueue_dma source(%dma_start3A_68 : memref<2x112xi32, #tpu.memory_space<hbm>>) target(%dma_start3A_64 : memref<2x112xi32, #tpu.memory_space<vmem>>) target_semaphore(%arg19 : memref<!tpu.dma_semaphore, #tpu.memory_space<semaphore_mem>>)
    %dma_start3A_69 = arith.constant 1 : i32
    %dma_start3A_70 = arith.constant 1 : i32
    %dma_start3A_71 = arith.constant 0 : i32
    %dma_start3A_72 = tpu.memref_slice %arg7[%dma_start3A_70, %dma_start3A_71] : memref<3x112xf32, #tpu.memory_space<vmem>> -> memref<1x112xf32, #tpu.memory_space<vmem>>
    %dma_start3A_73 = tpu.memref_squeeze %dma_start3A_72 : memref<1x112xf32, #tpu.memory_space<vmem>> -> memref<112xf32, #tpu.memory_space<vmem>>
    %dma_start3A_74 = arith.constant 0 : i32
    %dma_start3A_75 = tpu.memref_slice %arg4[%add3A, %dma_start3A_69, %dma_start3A_74] : memref<32x90x112xf32, #tpu.memory_space<hbm>> -> memref<1x1x112xf32, #tpu.memory_space<hbm>>
    %dma_start3A_76 = tpu.memref_squeeze %dma_start3A_75 : memref<1x1x112xf32, #tpu.memory_space<hbm>> -> memref<112xf32, #tpu.memory_space<hbm>>
    %dma_start3A_77 = arith.constant 0 : i32
    %dma_start3A_78 = tpu.memref_slice %arg7[%dma_start3A_70, %dma_start3A_77] : memref<3x112xf32, #tpu.memory_space<vmem>> -> memref<1x112xf32, #tpu.memory_space<vmem>>
    %dma_start3A_79 = tpu.memref_squeeze %dma_start3A_78 : memref<1x112xf32, #tpu.memory_space<vmem>> -> memref<112xf32, #tpu.memory_space<vmem>>
    %dma_start3A_80 = arith.constant 0 : i32
    %dma_start3A_81 = tpu.memref_slice %arg4[%add3A, %dma_start3A_69, %dma_start3A_80] : memref<32x90x112xf32, #tpu.memory_space<hbm>> -> memref<1x1x112xf32, #tpu.memory_space<hbm>>
    %dma_start3A_82 = tpu.memref_squeeze %dma_start3A_81 : memref<1x1x112xf32, #tpu.memory_space<hbm>> -> memref<112xf32, #tpu.memory_space<hbm>>
    tpu.enqueue_dma source(%dma_start3A_82 : memref<112xf32, #tpu.memory_space<hbm>>) target(%dma_start3A_79 : memref<112xf32, #tpu.memory_space<vmem>>) target_semaphore(%arg22 : memref<!tpu.dma_semaphore, #tpu.memory_space<semaphore_mem>>)
    %dma_wait3A = arith.constant 0 : i32
    %dma_wait3A_83 = arith.constant 0 : i32
    %dma_wait3A_84 = arith.constant 0 : i32
    %dma_wait3A_85 = arith.constant 0 : i32
    %dma_wait3A_86 = tpu.memref_slice %arg6[%dma_wait3A_83, %dma_wait3A_84, %dma_wait3A_85] : memref<6x2x112xi32, #tpu.memory_space<vmem>> -> memref<1x2x112xi32, #tpu.memory_space<vmem>>
    %dma_wait3A_87 = tpu.memref_squeeze %dma_wait3A_86 : memref<1x2x112xi32, #tpu.memory_space<vmem>> -> memref<2x112xi32, #tpu.memory_space<vmem>>
    %dma_wait3A_88 = arith.constant 0 : i32
    %dma_wait3A_89 = arith.constant 0 : i32
    %dma_wait3A_90 = tpu.memref_slice %arg3[%add3A, %dma_wait3A, %dma_wait3A_88, %dma_wait3A_89] : memref<32x90x2x112xi32, #tpu.memory_space<hbm>> -> memref<1x1x2x112xi32, #tpu.memory_space<hbm>>
    %dma_wait3A_91 = tpu.memref_squeeze %dma_wait3A_90 : memref<1x1x2x112xi32, #tpu.memory_space<hbm>> -> memref<2x112xi32, #tpu.memory_space<hbm>>
    %dma_wait3A_92 = arith.constant 0 : i32
    %dma_wait3A_93 = arith.constant 0 : i32
    %dma_wait3A_94 = tpu.memref_slice %arg6[%dma_wait3A_83, %dma_wait3A_92, %dma_wait3A_93] : memref<6x2x112xi32, #tpu.memory_space<vmem>> -> memref<1x2x112xi32, #tpu.memory_space<vmem>>
    %dma_wait3A_95 = tpu.memref_squeeze %dma_wait3A_94 : memref<1x2x112xi32, #tpu.memory_space<vmem>> -> memref<2x112xi32, #tpu.memory_space<vmem>>
    %dma_wait3A_96 = arith.constant 0 : i32
    %dma_wait3A_97 = arith.constant 0 : i32
    %dma_wait3A_98 = tpu.memref_slice %arg3[%add3A, %dma_wait3A, %dma_wait3A_96, %dma_wait3A_97] : memref<32x90x2x112xi32, #tpu.memory_space<hbm>> -> memref<1x1x2x112xi32, #tpu.memory_space<hbm>>
    %dma_wait3A_99 = tpu.memref_squeeze %dma_wait3A_98 : memref<1x1x2x112xi32, #tpu.memory_space<hbm>> -> memref<2x112xi32, #tpu.memory_space<hbm>>
    tpu.wait_dma2 semaphore(%arg18 : memref<!tpu.dma_semaphore, #tpu.memory_space<semaphore_mem>>) src(%dma_wait3A_99 : memref<2x112xi32, #tpu.memory_space<hbm>>) dst(%dma_wait3A_95 : memref<2x112xi32, #tpu.memory_space<vmem>>)
    %dma_wait3A_100 = arith.constant 0 : i32
    %dma_wait3A_101 = arith.constant 0 : i32
    %dma_wait3A_102 = arith.constant 0 : i32
    %dma_wait3A_103 = tpu.memref_slice %arg7[%dma_wait3A_101, %dma_wait3A_102] : memref<3x112xf32, #tpu.memory_space<vmem>> -> memref<1x112xf32, #tpu.memory_space<vmem>>
    %dma_wait3A_104 = tpu.memref_squeeze %dma_wait3A_103 : memref<1x112xf32, #tpu.memory_space<vmem>> -> memref<112xf32, #tpu.memory_space<vmem>>
    %dma_wait3A_105 = arith.constant 0 : i32
    %dma_wait3A_106 = tpu.memref_slice %arg4[%add3A, %dma_wait3A_100, %dma_wait3A_105] : memref<32x90x112xf32, #tpu.memory_space<hbm>> -> memref<1x1x112xf32, #tpu.memory_space<hbm>>
    %dma_wait3A_107 = tpu.memref_squeeze %dma_wait3A_106 : memref<1x1x112xf32, #tpu.memory_space<hbm>> -> memref<112xf32, #tpu.memory_space<hbm>>
    %dma_wait3A_108 = arith.constant 0 : i32
    %dma_wait3A_109 = tpu.memref_slice %arg7[%dma_wait3A_101, %dma_wait3A_108] : memref<3x112xf32, #tpu.memory_space<vmem>> -> memref<1x112xf32, #tpu.memory_space<vmem>>
    %dma_wait3A_110 = tpu.memref_squeeze %dma_wait3A_109 : memref<1x112xf32, #tpu.memory_space<vmem>> -> memref<112xf32, #tpu.memory_space<vmem>>
    %dma_wait3A_111 = arith.constant 0 : i32
    %dma_wait3A_112 = tpu.memref_slice %arg4[%add3A, %dma_wait3A_100, %dma_wait3A_111] : memref<32x90x112xf32, #tpu.memory_space<hbm>> -> memref<1x1x112xf32, #tpu.memory_space<hbm>>
    %dma_wait3A_113 = tpu.memref_squeeze %dma_wait3A_112 : memref<1x1x112xf32, #tpu.memory_space<hbm>> -> memref<112xf32, #tpu.memory_space<hbm>>
    tpu.wait_dma2 semaphore(%arg21 : memref<!tpu.dma_semaphore, #tpu.memory_space<semaphore_mem>>) src(%dma_wait3A_113 : memref<112xf32, #tpu.memory_space<hbm>>) dst(%dma_wait3A_110 : memref<112xf32, #tpu.memory_space<vmem>>)
    %dma_start3A_114 = arith.constant 0 : i32
    %dma_start3A_115 = arith.constant 0 : i32
    %dma_start3A_116 = arith.constant 0 : i32
    %dma_start3A_117 = tpu.memref_slice %arg6[%dma_start3A_114, %dma_start3A_115, %dma_start3A_116] : memref<6x2x112xi32, #tpu.memory_space<vmem>> -> memref<1x1x112xi32, #tpu.memory_space<vmem>>
    %dma_start3A_118 = tpu.memref_squeeze %dma_start3A_117 : memref<1x1x112xi32, #tpu.memory_space<vmem>> -> memref<112xi32, #tpu.memory_space<vmem>>
    %dma_start3A_119 = arith.constant 0 : i32
    %dma_start3A_120 = arith.constant 0 : i32
    %dma_start3A_121 = tpu.memref_slice %arg2[%dma_start3A_119, %dma_start3A_120] : memref<10000x128xf32, #tpu.memory_space<hbm>> -> memref<10000x128xf32, #tpu.memory_space<hbm>>
    tpu.enqueue_indirect_dma source(%dma_start3A_121 : memref<10000x128xf32, #tpu.memory_space<hbm>>) target(%arg8 : memref<112x128xf32, #tpu.memory_space<vmem>>) offsets(%dma_start3A_118 : memref<112xi32, #tpu.memory_space<vmem>>) semaphore(%arg12 : memref<!tpu.dma_semaphore, #tpu.memory_space<semaphore_mem>>)
    %scan3A_122 = arith.constant 0 : i32
    %scan3A_123 = arith.constant 30 : i32
    %scan3A_124 = arith.addi %scan3A_122, %scan3A_123 : i32
    %scan3A_125 = arith.constant 1 : i32
    scf.for %scan3A_128 = %scan3A_122 to %scan3A_124 step %scan3A_125  : i32 {
      %mul3A_129 = arith.constant 1 : i32
      %mul3A_130 = arith.muli %scan3A_128, %mul3A_129 : i32
      %add3A_131 = arith.constant 0 : i32
      %add3A_132 = arith.addi %add3A_131, %mul3A_130 : i32
      %mul3A_133 = arith.constant 3 : i32
      %mul3A_134 = arith.muli %mul3A_133, %add3A_132 : i32
      %add3A_135 = arith.constant 0 : i32
      %add3A_136 = arith.addi %mul3A_134, %add3A_135 : i32
      %add3A_137 = arith.constant 2 : i32
      %add3A_138 = arith.addi %add3A_136, %add3A_137 : i32
      %lt3A = arith.constant 90 : i32
      %lt3A_139 = arith.cmpi slt, %add3A_138, %lt3A : i32
      %convert_element_type3A = arith.extui %lt3A_139 : i1 to i32
      %cond3A = arith.constant 0 : i32
      %cond3A_140 = arith.cmpi ne, %convert_element_type3A, %cond3A : i32
      scf.if %cond3A_140 {
        %add3A_247 = arith.constant 2 : i32
        %add3A_248 = arith.addi %add3A_136, %add3A_247 : i32
        %jit3A_249 = arith.constant 6 : i32
        %eq3A_250 = arith.constant 0 : i32
        %eq3A_251 = arith.cmpi eq, %jit3A_249, %eq3A_250 : i32
        %jit3A_252 = arith.constant 1 : i32
        %select_n3A_253 = arith.select %eq3A_251, %jit3A_252, %jit3A_249 : i32
        %rem3A_254 = arith.remsi %add3A_248, %select_n3A_253 : i32
        %ne3A_255 = arith.constant 0 : i32
        %ne3A_256 = arith.cmpi ne, %rem3A_254, %ne3A_255 : i32
        %lt3A_257 = arith.constant 0 : i32
        %lt3A_258 = arith.cmpi slt, %rem3A_254, %lt3A_257 : i32
        %lt3A_259 = arith.constant 0 : i32
        %lt3A_260 = arith.cmpi slt, %select_n3A_253, %lt3A_259 : i32
        %ne3A_261 = arith.xori %lt3A_258, %lt3A_260 : i1
        %and3A_262 = arith.andi %ne3A_261, %ne3A_256 : i1
        %add3A_263 = arith.addi %rem3A_254, %select_n3A_253 : i32
        %select_n3A_264 = arith.select %and3A_262, %add3A_263, %rem3A_254 : i32
        %dma_start3A_265 = arith.constant 0 : i32
        %dma_start3A_266 = arith.constant 0 : i32
        %dma_start3A_267 = tpu.memref_slice %arg6[%select_n3A_264, %dma_start3A_265, %dma_start3A_266] : memref<6x2x112xi32, #tpu.memory_space<vmem>> -> memref<1x2x112xi32, #tpu.memory_space<vmem>>
        %dma_start3A_268 = tpu.memref_squeeze %dma_start3A_267 : memref<1x2x112xi32, #tpu.memory_space<vmem>> -> memref<2x112xi32, #tpu.memory_space<vmem>>
        %dma_start3A_269 = arith.constant 0 : i32
        %dma_start3A_270 = arith.constant 0 : i32
        %dma_start3A_271 = tpu.memref_slice %arg3[%add3A, %add3A_248, %dma_start3A_269, %dma_start3A_270] : memref<32x90x2x112xi32, #tpu.memory_space<hbm>> -> memref<1x1x2x112xi32, #tpu.memory_space<hbm>>
        %dma_start3A_272 = tpu.memref_squeeze %dma_start3A_271 : memref<1x1x2x112xi32, #tpu.memory_space<hbm>> -> memref<2x112xi32, #tpu.memory_space<hbm>>
        %dma_start3A_273 = arith.constant 0 : i32
        %dma_start3A_274 = arith.constant 0 : i32
        %dma_start3A_275 = tpu.memref_slice %arg6[%select_n3A_264, %dma_start3A_273, %dma_start3A_274] : memref<6x2x112xi32, #tpu.memory_space<vmem>> -> memref<1x2x112xi32, #tpu.memory_space<vmem>>
        %dma_start3A_276 = tpu.memref_squeeze %dma_start3A_275 : memref<1x2x112xi32, #tpu.memory_space<vmem>> -> memref<2x112xi32, #tpu.memory_space<vmem>>
        %dma_start3A_277 = arith.constant 0 : i32
        %dma_start3A_278 = arith.constant 0 : i32
        %dma_start3A_279 = tpu.memref_slice %arg3[%add3A, %add3A_248, %dma_start3A_277, %dma_start3A_278] : memref<32x90x2x112xi32, #tpu.memory_space<hbm>> -> memref<1x1x2x112xi32, #tpu.memory_space<hbm>>
        %dma_start3A_280 = tpu.memref_squeeze %dma_start3A_279 : memref<1x1x2x112xi32, #tpu.memory_space<hbm>> -> memref<2x112xi32, #tpu.memory_space<hbm>>
        tpu.enqueue_dma source(%dma_start3A_280 : memref<2x112xi32, #tpu.memory_space<hbm>>) target(%dma_start3A_276 : memref<2x112xi32, #tpu.memory_space<vmem>>) target_semaphore(%arg20 : memref<!tpu.dma_semaphore, #tpu.memory_space<semaphore_mem>>)
        %dma_start3A_281 = arith.constant 2 : i32
        %dma_start3A_282 = arith.constant 0 : i32
        %dma_start3A_283 = tpu.memref_slice %arg7[%dma_start3A_281, %dma_start3A_282] : memref<3x112xf32, #tpu.memory_space<vmem>> -> memref<1x112xf32, #tpu.memory_space<vmem>>
        %dma_start3A_284 = tpu.memref_squeeze %dma_start3A_283 : memref<1x112xf32, #tpu.memory_space<vmem>> -> memref<112xf32, #tpu.memory_space<vmem>>
        %dma_start3A_285 = arith.constant 0 : i32
        %dma_start3A_286 = tpu.memref_slice %arg4[%add3A, %add3A_248, %dma_start3A_285] : memref<32x90x112xf32, #tpu.memory_space<hbm>> -> memref<1x1x112xf32, #tpu.memory_space<hbm>>
        %dma_start3A_287 = tpu.memref_squeeze %dma_start3A_286 : memref<1x1x112xf32, #tpu.memory_space<hbm>> -> memref<112xf32, #tpu.memory_space<hbm>>
        %dma_start3A_288 = arith.constant 0 : i32
        %dma_start3A_289 = tpu.memref_slice %arg7[%dma_start3A_281, %dma_start3A_288] : memref<3x112xf32, #tpu.memory_space<vmem>> -> memref<1x112xf32, #tpu.memory_space<vmem>>
        %dma_start3A_290 = tpu.memref_squeeze %dma_start3A_289 : memref<1x112xf32, #tpu.memory_space<vmem>> -> memref<112xf32, #tpu.memory_space<vmem>>
        %dma_start3A_291 = arith.constant 0 : i32
        %dma_start3A_292 = tpu.memref_slice %arg4[%add3A, %add3A_248, %dma_start3A_291] : memref<32x90x112xf32, #tpu.memory_space<hbm>> -> memref<1x1x112xf32, #tpu.memory_space<hbm>>
        %dma_start3A_293 = tpu.memref_squeeze %dma_start3A_292 : memref<1x1x112xf32, #tpu.memory_space<hbm>> -> memref<112xf32, #tpu.memory_space<hbm>>
        tpu.enqueue_dma source(%dma_start3A_293 : memref<112xf32, #tpu.memory_space<hbm>>) target(%dma_start3A_290 : memref<112xf32, #tpu.memory_space<vmem>>) target_semaphore(%arg23 : memref<!tpu.dma_semaphore, #tpu.memory_space<semaphore_mem>>)
      } else {
      }
      %add3A_141 = arith.constant 1 : i32
      %add3A_142 = arith.addi %add3A_136, %add3A_141 : i32
      %lt3A_143 = arith.constant 90 : i32
      %lt3A_144 = arith.cmpi slt, %add3A_142, %lt3A_143 : i32
      %convert_element_type3A_145 = arith.extui %lt3A_144 : i1 to i32
      %cond3A_146 = arith.constant 0 : i32
      %cond3A_147 = arith.cmpi ne, %convert_element_type3A_145, %cond3A_146 : i32
      scf.if %cond3A_147 {
        %add3A_247 = arith.constant 1 : i32
        %add3A_248 = arith.addi %add3A_136, %add3A_247 : i32
        %jit3A_249 = arith.constant 6 : i32
        %eq3A_250 = arith.constant 0 : i32
        %eq3A_251 = arith.cmpi eq, %jit3A_249, %eq3A_250 : i32
        %jit3A_252 = arith.constant 1 : i32
        %select_n3A_253 = arith.select %eq3A_251, %jit3A_252, %jit3A_249 : i32
        %rem3A_254 = arith.remsi %add3A_248, %select_n3A_253 : i32
        %ne3A_255 = arith.constant 0 : i32
        %ne3A_256 = arith.cmpi ne, %rem3A_254, %ne3A_255 : i32
        %lt3A_257 = arith.constant 0 : i32
        %lt3A_258 = arith.cmpi slt, %rem3A_254, %lt3A_257 : i32
        %lt3A_259 = arith.constant 0 : i32
        %lt3A_260 = arith.cmpi slt, %select_n3A_253, %lt3A_259 : i32
        %ne3A_261 = arith.xori %lt3A_258, %lt3A_260 : i1
        %and3A_262 = arith.andi %ne3A_261, %ne3A_256 : i1
        %add3A_263 = arith.addi %rem3A_254, %select_n3A_253 : i32
        %select_n3A_264 = arith.select %and3A_262, %add3A_263, %rem3A_254 : i32
        %dma_wait3A_265 = arith.constant 0 : i32
        %dma_wait3A_266 = arith.constant 0 : i32
        %dma_wait3A_267 = tpu.memref_slice %arg6[%select_n3A_264, %dma_wait3A_265, %dma_wait3A_266] : memref<6x2x112xi32, #tpu.memory_space<vmem>> -> memref<1x2x112xi32, #tpu.memory_space<vmem>>
        %dma_wait3A_268 = tpu.memref_squeeze %dma_wait3A_267 : memref<1x2x112xi32, #tpu.memory_space<vmem>> -> memref<2x112xi32, #tpu.memory_space<vmem>>
        %dma_wait3A_269 = arith.constant 0 : i32
        %dma_wait3A_270 = arith.constant 0 : i32
        %dma_wait3A_271 = tpu.memref_slice %arg3[%add3A, %add3A_248, %dma_wait3A_269, %dma_wait3A_270] : memref<32x90x2x112xi32, #tpu.memory_space<hbm>> -> memref<1x1x2x112xi32, #tpu.memory_space<hbm>>
        %dma_wait3A_272 = tpu.memref_squeeze %dma_wait3A_271 : memref<1x1x2x112xi32, #tpu.memory_space<hbm>> -> memref<2x112xi32, #tpu.memory_space<hbm>>
        %dma_wait3A_273 = arith.constant 0 : i32
        %dma_wait3A_274 = arith.constant 0 : i32
        %dma_wait3A_275 = tpu.memref_slice %arg6[%select_n3A_264, %dma_wait3A_273, %dma_wait3A_274] : memref<6x2x112xi32, #tpu.memory_space<vmem>> -> memref<1x2x112xi32, #tpu.memory_space<vmem>>
        %dma_wait3A_276 = tpu.memref_squeeze %dma_wait3A_275 : memref<1x2x112xi32, #tpu.memory_space<vmem>> -> memref<2x112xi32, #tpu.memory_space<vmem>>
        %dma_wait3A_277 = arith.constant 0 : i32
        %dma_wait3A_278 = arith.constant 0 : i32
        %dma_wait3A_279 = tpu.memref_slice %arg3[%add3A, %add3A_248, %dma_wait3A_277, %dma_wait3A_278] : memref<32x90x2x112xi32, #tpu.memory_space<hbm>> -> memref<1x1x2x112xi32, #tpu.memory_space<hbm>>
        %dma_wait3A_280 = tpu.memref_squeeze %dma_wait3A_279 : memref<1x1x2x112xi32, #tpu.memory_space<hbm>> -> memref<2x112xi32, #tpu.memory_space<hbm>>
        tpu.wait_dma2 semaphore(%arg19 : memref<!tpu.dma_semaphore, #tpu.memory_space<semaphore_mem>>) src(%dma_wait3A_280 : memref<2x112xi32, #tpu.memory_space<hbm>>) dst(%dma_wait3A_276 : memref<2x112xi32, #tpu.memory_space<vmem>>)
        %dma_wait3A_281 = arith.constant 1 : i32
        %dma_wait3A_282 = arith.constant 0 : i32
        %dma_wait3A_283 = tpu.memref_slice %arg7[%dma_wait3A_281, %dma_wait3A_282] : memref<3x112xf32, #tpu.memory_space<vmem>> -> memref<1x112xf32, #tpu.memory_space<vmem>>
        %dma_wait3A_284 = tpu.memref_squeeze %dma_wait3A_283 : memref<1x112xf32, #tpu.memory_space<vmem>> -> memref<112xf32, #tpu.memory_space<vmem>>
        %dma_wait3A_285 = arith.constant 0 : i32
        %dma_wait3A_286 = tpu.memref_slice %arg4[%add3A, %add3A_248, %dma_wait3A_285] : memref<32x90x112xf32, #tpu.memory_space<hbm>> -> memref<1x1x112xf32, #tpu.memory_space<hbm>>
        %dma_wait3A_287 = tpu.memref_squeeze %dma_wait3A_286 : memref<1x1x112xf32, #tpu.memory_space<hbm>> -> memref<112xf32, #tpu.memory_space<hbm>>
        %dma_wait3A_288 = arith.constant 0 : i32
        %dma_wait3A_289 = tpu.memref_slice %arg7[%dma_wait3A_281, %dma_wait3A_288] : memref<3x112xf32, #tpu.memory_space<vmem>> -> memref<1x112xf32, #tpu.memory_space<vmem>>
        %dma_wait3A_290 = tpu.memref_squeeze %dma_wait3A_289 : memref<1x112xf32, #tpu.memory_space<vmem>> -> memref<112xf32, #tpu.memory_space<vmem>>
        %dma_wait3A_291 = arith.constant 0 : i32
        %dma_wait3A_292 = tpu.memref_slice %arg4[%add3A, %add3A_248, %dma_wait3A_291] : memref<32x90x112xf32, #tpu.memory_space<hbm>> -> memref<1x1x112xf32, #tpu.memory_space<hbm>>
        %dma_wait3A_293 = tpu.memref_squeeze %dma_wait3A_292 : memref<1x1x112xf32, #tpu.memory_space<hbm>> -> memref<112xf32, #tpu.memory_space<hbm>>
        tpu.wait_dma2 semaphore(%arg22 : memref<!tpu.dma_semaphore, #tpu.memory_space<semaphore_mem>>) src(%dma_wait3A_293 : memref<112xf32, #tpu.memory_space<hbm>>) dst(%dma_wait3A_290 : memref<112xf32, #tpu.memory_space<vmem>>)
        %add3A_294 = arith.constant 1 : i32
        %add3A_295 = arith.addi %add3A_136, %add3A_294 : i32
        %jit3A_296 = arith.constant 6 : i32
        %eq3A_297 = arith.constant 0 : i32
        %eq3A_298 = arith.cmpi eq, %jit3A_296, %eq3A_297 : i32
        %jit3A_299 = arith.constant 1 : i32
        %select_n3A_300 = arith.select %eq3A_298, %jit3A_299, %jit3A_296 : i32
        %rem3A_301 = arith.remsi %add3A_295, %select_n3A_300 : i32
        %ne3A_302 = arith.constant 0 : i32
        %ne3A_303 = arith.cmpi ne, %rem3A_301, %ne3A_302 : i32
        %lt3A_304 = arith.constant 0 : i32
        %lt3A_305 = arith.cmpi slt, %rem3A_301, %lt3A_304 : i32
        %lt3A_306 = arith.constant 0 : i32
        %lt3A_307 = arith.cmpi slt, %select_n3A_300, %lt3A_306 : i32
        %ne3A_308 = arith.xori %lt3A_305, %lt3A_307 : i1
        %and3A_309 = arith.andi %ne3A_308, %ne3A_303 : i1
        %add3A_310 = arith.addi %rem3A_301, %select_n3A_300 : i32
        %select_n3A_311 = arith.select %and3A_309, %add3A_310, %rem3A_301 : i32
        %dma_start3A_312 = arith.constant 0 : i32
        %dma_start3A_313 = arith.constant 0 : i32
        %dma_start3A_314 = tpu.memref_slice %arg6[%select_n3A_311, %dma_start3A_312, %dma_start3A_313] : memref<6x2x112xi32, #tpu.memory_space<vmem>> -> memref<1x1x112xi32, #tpu.memory_space<vmem>>
        %dma_start3A_315 = tpu.memref_squeeze %dma_start3A_314 : memref<1x1x112xi32, #tpu.memory_space<vmem>> -> memref<112xi32, #tpu.memory_space<vmem>>
        %dma_start3A_316 = arith.constant 0 : i32
        %dma_start3A_317 = arith.constant 0 : i32
        %dma_start3A_318 = tpu.memref_slice %arg2[%dma_start3A_316, %dma_start3A_317] : memref<10000x128xf32, #tpu.memory_space<hbm>> -> memref<10000x128xf32, #tpu.memory_space<hbm>>
        tpu.enqueue_indirect_dma source(%dma_start3A_318 : memref<10000x128xf32, #tpu.memory_space<hbm>>) target(%arg9 : memref<112x128xf32, #tpu.memory_space<vmem>>) offsets(%dma_start3A_315 : memref<112xi32, #tpu.memory_space<vmem>>) semaphore(%arg13 : memref<!tpu.dma_semaphore, #tpu.memory_space<semaphore_mem>>)
      } else {
      }
      %jit3A = arith.constant 6 : i32
      %eq3A = arith.constant 0 : i32
      %eq3A_148 = arith.cmpi eq, %jit3A, %eq3A : i32
      %jit3A_149 = arith.constant 1 : i32
      %select_n3A = arith.select %eq3A_148, %jit3A_149, %jit3A : i32
      %rem3A = arith.remsi %add3A_136, %select_n3A : i32
      %ne3A = arith.constant 0 : i32
      %ne3A_150 = arith.cmpi ne, %rem3A, %ne3A : i32
      %lt3A_151 = arith.constant 0 : i32
      %lt3A_152 = arith.cmpi slt, %rem3A, %lt3A_151 : i32
      %lt3A_153 = arith.constant 0 : i32
      %lt3A_154 = arith.cmpi slt, %select_n3A, %lt3A_153 : i32
      %ne3A_155 = arith.xori %lt3A_152, %lt3A_154 : i1
      %and3A = arith.andi %ne3A_155, %ne3A_150 : i1
      %add3A_156 = arith.addi %rem3A, %select_n3A : i32
      %select_n3A_157 = arith.select %and3A, %add3A_156, %rem3A : i32
      %dma_wait3A_158 = arith.constant 0 : i32
      %dma_wait3A_159 = arith.constant 0 : i32
      %dma_wait3A_160 = tpu.memref_slice %arg6[%select_n3A_157, %dma_wait3A_158, %dma_wait3A_159] : memref<6x2x112xi32, #tpu.memory_space<vmem>> -> memref<1x1x112xi32, #tpu.memory_space<vmem>>
      %dma_wait3A_161 = tpu.memref_squeeze %dma_wait3A_160 : memref<1x1x112xi32, #tpu.memory_space<vmem>> -> memref<112xi32, #tpu.memory_space<vmem>>
      %dma_wait3A_162 = arith.constant 0 : i32
      %dma_wait3A_163 = arith.constant 0 : i32
      %dma_wait3A_164 = tpu.memref_slice %arg2[%dma_wait3A_162, %dma_wait3A_163] : memref<10000x128xf32, #tpu.memory_space<hbm>> -> memref<10000x128xf32, #tpu.memory_space<hbm>>
      tpu.wait_indirect_dma semaphore(%arg12 : memref<!tpu.dma_semaphore, #tpu.memory_space<semaphore_mem>>) src(%dma_wait3A_164 : memref<10000x128xf32, #tpu.memory_space<hbm>>) dst(%arg8 : memref<112x128xf32, #tpu.memory_space<vmem>>)
      %mul3A_165 = arith.constant 3 : i32
      %mul3A_166 = arith.muli %mul3A_165, %add3A_132 : i32
      %add3A_167 = arith.constant 1 : i32
      %add3A_168 = arith.addi %mul3A_166, %add3A_167 : i32
      %add3A_169 = arith.constant 2 : i32
      %add3A_170 = arith.addi %add3A_168, %add3A_169 : i32
      %lt3A_171 = arith.constant 90 : i32
      %lt3A_172 = arith.cmpi slt, %add3A_170, %lt3A_171 : i32
      %convert_element_type3A_173 = arith.extui %lt3A_172 : i1 to i32
      %cond3A_174 = arith.constant 0 : i32
      %cond3A_175 = arith.cmpi ne, %convert_element_type3A_173, %cond3A_174 : i32
      scf.if %cond3A_175 {
        %add3A_247 = arith.constant 2 : i32
        %add3A_248 = arith.addi %add3A_168, %add3A_247 : i32
        %jit3A_249 = arith.constant 6 : i32
        %eq3A_250 = arith.constant 0 : i32
        %eq3A_251 = arith.cmpi eq, %jit3A_249, %eq3A_250 : i32
        %jit3A_252 = arith.constant 1 : i32
        %select_n3A_253 = arith.select %eq3A_251, %jit3A_252, %jit3A_249 : i32
        %rem3A_254 = arith.remsi %add3A_248, %select_n3A_253 : i32
        %ne3A_255 = arith.constant 0 : i32
        %ne3A_256 = arith.cmpi ne, %rem3A_254, %ne3A_255 : i32
        %lt3A_257 = arith.constant 0 : i32
        %lt3A_258 = arith.cmpi slt, %rem3A_254, %lt3A_257 : i32
        %lt3A_259 = arith.constant 0 : i32
        %lt3A_260 = arith.cmpi slt, %select_n3A_253, %lt3A_259 : i32
        %ne3A_261 = arith.xori %lt3A_258, %lt3A_260 : i1
        %and3A_262 = arith.andi %ne3A_261, %ne3A_256 : i1
        %add3A_263 = arith.addi %rem3A_254, %select_n3A_253 : i32
        %select_n3A_264 = arith.select %and3A_262, %add3A_263, %rem3A_254 : i32
        %dma_start3A_265 = arith.constant 0 : i32
        %dma_start3A_266 = arith.constant 0 : i32
        %dma_start3A_267 = tpu.memref_slice %arg6[%select_n3A_264, %dma_start3A_265, %dma_start3A_266] : memref<6x2x112xi32, #tpu.memory_space<vmem>> -> memref<1x2x112xi32, #tpu.memory_space<vmem>>
        %dma_start3A_268 = tpu.memref_squeeze %dma_start3A_267 : memref<1x2x112xi32, #tpu.memory_space<vmem>> -> memref<2x112xi32, #tpu.memory_space<vmem>>
        %dma_start3A_269 = arith.constant 0 : i32
        %dma_start3A_270 = arith.constant 0 : i32
        %dma_start3A_271 = tpu.memref_slice %arg3[%add3A, %add3A_248, %dma_start3A_269, %dma_start3A_270] : memref<32x90x2x112xi32, #tpu.memory_space<hbm>> -> memref<1x1x2x112xi32, #tpu.memory_space<hbm>>
        %dma_start3A_272 = tpu.memref_squeeze %dma_start3A_271 : memref<1x1x2x112xi32, #tpu.memory_space<hbm>> -> memref<2x112xi32, #tpu.memory_space<hbm>>
        %dma_start3A_273 = arith.constant 0 : i32
        %dma_start3A_274 = arith.constant 0 : i32
        %dma_start3A_275 = tpu.memref_slice %arg6[%select_n3A_264, %dma_start3A_273, %dma_start3A_274] : memref<6x2x112xi32, #tpu.memory_space<vmem>> -> memref<1x2x112xi32, #tpu.memory_space<vmem>>
        %dma_start3A_276 = tpu.memref_squeeze %dma_start3A_275 : memref<1x2x112xi32, #tpu.memory_space<vmem>> -> memref<2x112xi32, #tpu.memory_space<vmem>>
        %dma_start3A_277 = arith.constant 0 : i32
        %dma_start3A_278 = arith.constant 0 : i32
        %dma_start3A_279 = tpu.memref_slice %arg3[%add3A, %add3A_248, %dma_start3A_277, %dma_start3A_278] : memref<32x90x2x112xi32, #tpu.memory_space<hbm>> -> memref<1x1x2x112xi32, #tpu.memory_space<hbm>>
        %dma_start3A_280 = tpu.memref_squeeze %dma_start3A_279 : memref<1x1x2x112xi32, #tpu.memory_space<hbm>> -> memref<2x112xi32, #tpu.memory_space<hbm>>
        tpu.enqueue_dma source(%dma_start3A_280 : memref<2x112xi32, #tpu.memory_space<hbm>>) target(%dma_start3A_276 : memref<2x112xi32, #tpu.memory_space<vmem>>) target_semaphore(%arg18 : memref<!tpu.dma_semaphore, #tpu.memory_space<semaphore_mem>>)
        %dma_start3A_281 = arith.constant 0 : i32
        %dma_start3A_282 = arith.constant 0 : i32
        %dma_start3A_283 = tpu.memref_slice %arg7[%dma_start3A_281, %dma_start3A_282] : memref<3x112xf32, #tpu.memory_space<vmem>> -> memref<1x112xf32, #tpu.memory_space<vmem>>
        %dma_start3A_284 = tpu.memref_squeeze %dma_start3A_283 : memref<1x112xf32, #tpu.memory_space<vmem>> -> memref<112xf32, #tpu.memory_space<vmem>>
        %dma_start3A_285 = arith.constant 0 : i32
        %dma_start3A_286 = tpu.memref_slice %arg4[%add3A, %add3A_248, %dma_start3A_285] : memref<32x90x112xf32, #tpu.memory_space<hbm>> -> memref<1x1x112xf32, #tpu.memory_space<hbm>>
        %dma_start3A_287 = tpu.memref_squeeze %dma_start3A_286 : memref<1x1x112xf32, #tpu.memory_space<hbm>> -> memref<112xf32, #tpu.memory_space<hbm>>
        %dma_start3A_288 = arith.constant 0 : i32
        %dma_start3A_289 = tpu.memref_slice %arg7[%dma_start3A_281, %dma_start3A_288] : memref<3x112xf32, #tpu.memory_space<vmem>> -> memref<1x112xf32, #tpu.memory_space<vmem>>
        %dma_start3A_290 = tpu.memref_squeeze %dma_start3A_289 : memref<1x112xf32, #tpu.memory_space<vmem>> -> memref<112xf32, #tpu.memory_space<vmem>>
        %dma_start3A_291 = arith.constant 0 : i32
        %dma_start3A_292 = tpu.memref_slice %arg4[%add3A, %add3A_248, %dma_start3A_291] : memref<32x90x112xf32, #tpu.memory_space<hbm>> -> memref<1x1x112xf32, #tpu.memory_space<hbm>>
        %dma_start3A_293 = tpu.memref_squeeze %dma_start3A_292 : memref<1x1x112xf32, #tpu.memory_space<hbm>> -> memref<112xf32, #tpu.memory_space<hbm>>
        tpu.enqueue_dma source(%dma_start3A_293 : memref<112xf32, #tpu.memory_space<hbm>>) target(%dma_start3A_290 : memref<112xf32, #tpu.memory_space<vmem>>) target_semaphore(%arg21 : memref<!tpu.dma_semaphore, #tpu.memory_space<semaphore_mem>>)
      } else {
      }
      %add3A_176 = arith.constant 1 : i32
      %add3A_177 = arith.addi %add3A_168, %add3A_176 : i32
      %lt3A_178 = arith.constant 90 : i32
      %lt3A_179 = arith.cmpi slt, %add3A_177, %lt3A_178 : i32
      %convert_element_type3A_180 = arith.extui %lt3A_179 : i1 to i32
      %cond3A_181 = arith.constant 0 : i32
      %cond3A_182 = arith.cmpi ne, %convert_element_type3A_180, %cond3A_181 : i32
      scf.if %cond3A_182 {
        %add3A_247 = arith.constant 1 : i32
        %add3A_248 = arith.addi %add3A_168, %add3A_247 : i32
        %jit3A_249 = arith.constant 6 : i32
        %eq3A_250 = arith.constant 0 : i32
        %eq3A_251 = arith.cmpi eq, %jit3A_249, %eq3A_250 : i32
        %jit3A_252 = arith.constant 1 : i32
        %select_n3A_253 = arith.select %eq3A_251, %jit3A_252, %jit3A_249 : i32
        %rem3A_254 = arith.remsi %add3A_248, %select_n3A_253 : i32
        %ne3A_255 = arith.constant 0 : i32
        %ne3A_256 = arith.cmpi ne, %rem3A_254, %ne3A_255 : i32
        %lt3A_257 = arith.constant 0 : i32
        %lt3A_258 = arith.cmpi slt, %rem3A_254, %lt3A_257 : i32
        %lt3A_259 = arith.constant 0 : i32
        %lt3A_260 = arith.cmpi slt, %select_n3A_253, %lt3A_259 : i32
        %ne3A_261 = arith.xori %lt3A_258, %lt3A_260 : i1
        %and3A_262 = arith.andi %ne3A_261, %ne3A_256 : i1
        %add3A_263 = arith.addi %rem3A_254, %select_n3A_253 : i32
        %select_n3A_264 = arith.select %and3A_262, %add3A_263, %rem3A_254 : i32
        %dma_wait3A_265 = arith.constant 0 : i32
        %dma_wait3A_266 = arith.constant 0 : i32
        %dma_wait3A_267 = tpu.memref_slice %arg6[%select_n3A_264, %dma_wait3A_265, %dma_wait3A_266] : memref<6x2x112xi32, #tpu.memory_space<vmem>> -> memref<1x2x112xi32, #tpu.memory_space<vmem>>
        %dma_wait3A_268 = tpu.memref_squeeze %dma_wait3A_267 : memref<1x2x112xi32, #tpu.memory_space<vmem>> -> memref<2x112xi32, #tpu.memory_space<vmem>>
        %dma_wait3A_269 = arith.constant 0 : i32
        %dma_wait3A_270 = arith.constant 0 : i32
        %dma_wait3A_271 = tpu.memref_slice %arg3[%add3A, %add3A_248, %dma_wait3A_269, %dma_wait3A_270] : memref<32x90x2x112xi32, #tpu.memory_space<hbm>> -> memref<1x1x2x112xi32, #tpu.memory_space<hbm>>
        %dma_wait3A_272 = tpu.memref_squeeze %dma_wait3A_271 : memref<1x1x2x112xi32, #tpu.memory_space<hbm>> -> memref<2x112xi32, #tpu.memory_space<hbm>>
        %dma_wait3A_273 = arith.constant 0 : i32
        %dma_wait3A_274 = arith.constant 0 : i32
        %dma_wait3A_275 = tpu.memref_slice %arg6[%select_n3A_264, %dma_wait3A_273, %dma_wait3A_274] : memref<6x2x112xi32, #tpu.memory_space<vmem>> -> memref<1x2x112xi32, #tpu.memory_space<vmem>>
        %dma_wait3A_276 = tpu.memref_squeeze %dma_wait3A_275 : memref<1x2x112xi32, #tpu.memory_space<vmem>> -> memref<2x112xi32, #tpu.memory_space<vmem>>
        %dma_wait3A_277 = arith.constant 0 : i32
        %dma_wait3A_278 = arith.constant 0 : i32
        %dma_wait3A_279 = tpu.memref_slice %arg3[%add3A, %add3A_248, %dma_wait3A_277, %dma_wait3A_278] : memref<32x90x2x112xi32, #tpu.memory_space<hbm>> -> memref<1x1x2x112xi32, #tpu.memory_space<hbm>>
        %dma_wait3A_280 = tpu.memref_squeeze %dma_wait3A_279 : memref<1x1x2x112xi32, #tpu.memory_space<hbm>> -> memref<2x112xi32, #tpu.memory_space<hbm>>
        tpu.wait_dma2 semaphore(%arg20 : memref<!tpu.dma_semaphore, #tpu.memory_space<semaphore_mem>>) src(%dma_wait3A_280 : memref<2x112xi32, #tpu.memory_space<hbm>>) dst(%dma_wait3A_276 : memref<2x112xi32, #tpu.memory_space<vmem>>)
        %dma_wait3A_281 = arith.constant 2 : i32
        %dma_wait3A_282 = arith.constant 0 : i32
        %dma_wait3A_283 = tpu.memref_slice %arg7[%dma_wait3A_281, %dma_wait3A_282] : memref<3x112xf32, #tpu.memory_space<vmem>> -> memref<1x112xf32, #tpu.memory_space<vmem>>
        %dma_wait3A_284 = tpu.memref_squeeze %dma_wait3A_283 : memref<1x112xf32, #tpu.memory_space<vmem>> -> memref<112xf32, #tpu.memory_space<vmem>>
        %dma_wait3A_285 = arith.constant 0 : i32
        %dma_wait3A_286 = tpu.memref_slice %arg4[%add3A, %add3A_248, %dma_wait3A_285] : memref<32x90x112xf32, #tpu.memory_space<hbm>> -> memref<1x1x112xf32, #tpu.memory_space<hbm>>
        %dma_wait3A_287 = tpu.memref_squeeze %dma_wait3A_286 : memref<1x1x112xf32, #tpu.memory_space<hbm>> -> memref<112xf32, #tpu.memory_space<hbm>>
        %dma_wait3A_288 = arith.constant 0 : i32
        %dma_wait3A_289 = tpu.memref_slice %arg7[%dma_wait3A_281, %dma_wait3A_288] : memref<3x112xf32, #tpu.memory_space<vmem>> -> memref<1x112xf32, #tpu.memory_space<vmem>>
        %dma_wait3A_290 = tpu.memref_squeeze %dma_wait3A_289 : memref<1x112xf32, #tpu.memory_space<vmem>> -> memref<112xf32, #tpu.memory_space<vmem>>
        %dma_wait3A_291 = arith.constant 0 : i32
        %dma_wait3A_292 = tpu.memref_slice %arg4[%add3A, %add3A_248, %dma_wait3A_291] : memref<32x90x112xf32, #tpu.memory_space<hbm>> -> memref<1x1x112xf32, #tpu.memory_space<hbm>>
        %dma_wait3A_293 = tpu.memref_squeeze %dma_wait3A_292 : memref<1x1x112xf32, #tpu.memory_space<hbm>> -> memref<112xf32, #tpu.memory_space<hbm>>
        tpu.wait_dma2 semaphore(%arg23 : memref<!tpu.dma_semaphore, #tpu.memory_space<semaphore_mem>>) src(%dma_wait3A_293 : memref<112xf32, #tpu.memory_space<hbm>>) dst(%dma_wait3A_290 : memref<112xf32, #tpu.memory_space<vmem>>)
        %add3A_294 = arith.constant 1 : i32
        %add3A_295 = arith.addi %add3A_168, %add3A_294 : i32
        %jit3A_296 = arith.constant 6 : i32
        %eq3A_297 = arith.constant 0 : i32
        %eq3A_298 = arith.cmpi eq, %jit3A_296, %eq3A_297 : i32
        %jit3A_299 = arith.constant 1 : i32
        %select_n3A_300 = arith.select %eq3A_298, %jit3A_299, %jit3A_296 : i32
        %rem3A_301 = arith.remsi %add3A_295, %select_n3A_300 : i32
        %ne3A_302 = arith.constant 0 : i32
        %ne3A_303 = arith.cmpi ne, %rem3A_301, %ne3A_302 : i32
        %lt3A_304 = arith.constant 0 : i32
        %lt3A_305 = arith.cmpi slt, %rem3A_301, %lt3A_304 : i32
        %lt3A_306 = arith.constant 0 : i32
        %lt3A_307 = arith.cmpi slt, %select_n3A_300, %lt3A_306 : i32
        %ne3A_308 = arith.xori %lt3A_305, %lt3A_307 : i1
        %and3A_309 = arith.andi %ne3A_308, %ne3A_303 : i1
        %add3A_310 = arith.addi %rem3A_301, %select_n3A_300 : i32
        %select_n3A_311 = arith.select %and3A_309, %add3A_310, %rem3A_301 : i32
        %dma_start3A_312 = arith.constant 0 : i32
        %dma_start3A_313 = arith.constant 0 : i32
        %dma_start3A_314 = tpu.memref_slice %arg6[%select_n3A_311, %dma_start3A_312, %dma_start3A_313] : memref<6x2x112xi32, #tpu.memory_space<vmem>> -> memref<1x1x112xi32, #tpu.memory_space<vmem>>
        %dma_start3A_315 = tpu.memref_squeeze %dma_start3A_314 : memref<1x1x112xi32, #tpu.memory_space<vmem>> -> memref<112xi32, #tpu.memory_space<vmem>>
        %dma_start3A_316 = arith.constant 0 : i32
        %dma_start3A_317 = arith.constant 0 : i32
        %dma_start3A_318 = tpu.memref_slice %arg2[%dma_start3A_316, %dma_start3A_317] : memref<10000x128xf32, #tpu.memory_space<hbm>> -> memref<10000x128xf32, #tpu.memory_space<hbm>>
        tpu.enqueue_indirect_dma source(%dma_start3A_318 : memref<10000x128xf32, #tpu.memory_space<hbm>>) target(%arg10 : memref<112x128xf32, #tpu.memory_space<vmem>>) offsets(%dma_start3A_315 : memref<112xi32, #tpu.memory_space<vmem>>) semaphore(%arg14 : memref<!tpu.dma_semaphore, #tpu.memory_space<semaphore_mem>>)
      } else {
      }
      %jit3A_183 = arith.constant 6 : i32
      %eq3A_184 = arith.constant 0 : i32
      %eq3A_185 = arith.cmpi eq, %jit3A_183, %eq3A_184 : i32
      %jit3A_186 = arith.constant 1 : i32
      %select_n3A_187 = arith.select %eq3A_185, %jit3A_186, %jit3A_183 : i32
      %rem3A_188 = arith.remsi %add3A_168, %select_n3A_187 : i32
      %ne3A_189 = arith.constant 0 : i32
      %ne3A_190 = arith.cmpi ne, %rem3A_188, %ne3A_189 : i32
      %lt3A_191 = arith.constant 0 : i32
      %lt3A_192 = arith.cmpi slt, %rem3A_188, %lt3A_191 : i32
      %lt3A_193 = arith.constant 0 : i32
      %lt3A_194 = arith.cmpi slt, %select_n3A_187, %lt3A_193 : i32
      %ne3A_195 = arith.xori %lt3A_192, %lt3A_194 : i1
      %and3A_196 = arith.andi %ne3A_195, %ne3A_190 : i1
      %add3A_197 = arith.addi %rem3A_188, %select_n3A_187 : i32
      %select_n3A_198 = arith.select %and3A_196, %add3A_197, %rem3A_188 : i32
      %dma_wait3A_199 = arith.constant 0 : i32
      %dma_wait3A_200 = arith.constant 0 : i32
      %dma_wait3A_201 = tpu.memref_slice %arg6[%select_n3A_198, %dma_wait3A_199, %dma_wait3A_200] : memref<6x2x112xi32, #tpu.memory_space<vmem>> -> memref<1x1x112xi32, #tpu.memory_space<vmem>>
      %dma_wait3A_202 = tpu.memref_squeeze %dma_wait3A_201 : memref<1x1x112xi32, #tpu.memory_space<vmem>> -> memref<112xi32, #tpu.memory_space<vmem>>
      %dma_wait3A_203 = arith.constant 0 : i32
      %dma_wait3A_204 = arith.constant 0 : i32
      %dma_wait3A_205 = tpu.memref_slice %arg2[%dma_wait3A_203, %dma_wait3A_204] : memref<10000x128xf32, #tpu.memory_space<hbm>> -> memref<10000x128xf32, #tpu.memory_space<hbm>>
      tpu.wait_indirect_dma semaphore(%arg13 : memref<!tpu.dma_semaphore, #tpu.memory_space<semaphore_mem>>) src(%dma_wait3A_205 : memref<10000x128xf32, #tpu.memory_space<hbm>>) dst(%arg9 : memref<112x128xf32, #tpu.memory_space<vmem>>)
      %mul3A_206 = arith.constant 3 : i32
      %mul3A_207 = arith.muli %mul3A_206, %add3A_132 : i32
      %add3A_208 = arith.constant 2 : i32
      %add3A_209 = arith.addi %mul3A_207, %add3A_208 : i32
      %add3A_210 = arith.constant 2 : i32
      %add3A_211 = arith.addi %add3A_209, %add3A_210 : i32
      %lt3A_212 = arith.constant 90 : i32
      %lt3A_213 = arith.cmpi slt, %add3A_211, %lt3A_212 : i32
      %convert_element_type3A_214 = arith.extui %lt3A_213 : i1 to i32
      %cond3A_215 = arith.constant 0 : i32
      %cond3A_216 = arith.cmpi ne, %convert_element_type3A_214, %cond3A_215 : i32
      scf.if %cond3A_216 {
        %add3A_247 = arith.constant 2 : i32
        %add3A_248 = arith.addi %add3A_209, %add3A_247 : i32
        %jit3A_249 = arith.constant 6 : i32
        %eq3A_250 = arith.constant 0 : i32
        %eq3A_251 = arith.cmpi eq, %jit3A_249, %eq3A_250 : i32
        %jit3A_252 = arith.constant 1 : i32
        %select_n3A_253 = arith.select %eq3A_251, %jit3A_252, %jit3A_249 : i32
        %rem3A_254 = arith.remsi %add3A_248, %select_n3A_253 : i32
        %ne3A_255 = arith.constant 0 : i32
        %ne3A_256 = arith.cmpi ne, %rem3A_254, %ne3A_255 : i32
        %lt3A_257 = arith.constant 0 : i32
        %lt3A_258 = arith.cmpi slt, %rem3A_254, %lt3A_257 : i32
        %lt3A_259 = arith.constant 0 : i32
        %lt3A_260 = arith.cmpi slt, %select_n3A_253, %lt3A_259 : i32
        %ne3A_261 = arith.xori %lt3A_258, %lt3A_260 : i1
        %and3A_262 = arith.andi %ne3A_261, %ne3A_256 : i1
        %add3A_263 = arith.addi %rem3A_254, %select_n3A_253 : i32
        %select_n3A_264 = arith.select %and3A_262, %add3A_263, %rem3A_254 : i32
        %dma_start3A_265 = arith.constant 0 : i32
        %dma_start3A_266 = arith.constant 0 : i32
        %dma_start3A_267 = tpu.memref_slice %arg6[%select_n3A_264, %dma_start3A_265, %dma_start3A_266] : memref<6x2x112xi32, #tpu.memory_space<vmem>> -> memref<1x2x112xi32, #tpu.memory_space<vmem>>
        %dma_start3A_268 = tpu.memref_squeeze %dma_start3A_267 : memref<1x2x112xi32, #tpu.memory_space<vmem>> -> memref<2x112xi32, #tpu.memory_space<vmem>>
        %dma_start3A_269 = arith.constant 0 : i32
        %dma_start3A_270 = arith.constant 0 : i32
        %dma_start3A_271 = tpu.memref_slice %arg3[%add3A, %add3A_248, %dma_start3A_269, %dma_start3A_270] : memref<32x90x2x112xi32, #tpu.memory_space<hbm>> -> memref<1x1x2x112xi32, #tpu.memory_space<hbm>>
        %dma_start3A_272 = tpu.memref_squeeze %dma_start3A_271 : memref<1x1x2x112xi32, #tpu.memory_space<hbm>> -> memref<2x112xi32, #tpu.memory_space<hbm>>
        %dma_start3A_273 = arith.constant 0 : i32
        %dma_start3A_274 = arith.constant 0 : i32
        %dma_start3A_275 = tpu.memref_slice %arg6[%select_n3A_264, %dma_start3A_273, %dma_start3A_274] : memref<6x2x112xi32, #tpu.memory_space<vmem>> -> memref<1x2x112xi32, #tpu.memory_space<vmem>>
        %dma_start3A_276 = tpu.memref_squeeze %dma_start3A_275 : memref<1x2x112xi32, #tpu.memory_space<vmem>> -> memref<2x112xi32, #tpu.memory_space<vmem>>
        %dma_start3A_277 = arith.constant 0 : i32
        %dma_start3A_278 = arith.constant 0 : i32
        %dma_start3A_279 = tpu.memref_slice %arg3[%add3A, %add3A_248, %dma_start3A_277, %dma_start3A_278] : memref<32x90x2x112xi32, #tpu.memory_space<hbm>> -> memref<1x1x2x112xi32, #tpu.memory_space<hbm>>
        %dma_start3A_280 = tpu.memref_squeeze %dma_start3A_279 : memref<1x1x2x112xi32, #tpu.memory_space<hbm>> -> memref<2x112xi32, #tpu.memory_space<hbm>>
        tpu.enqueue_dma source(%dma_start3A_280 : memref<2x112xi32, #tpu.memory_space<hbm>>) target(%dma_start3A_276 : memref<2x112xi32, #tpu.memory_space<vmem>>) target_semaphore(%arg19 : memref<!tpu.dma_semaphore, #tpu.memory_space<semaphore_mem>>)
        %dma_start3A_281 = arith.constant 1 : i32
        %dma_start3A_282 = arith.constant 0 : i32
        %dma_start3A_283 = tpu.memref_slice %arg7[%dma_start3A_281, %dma_start3A_282] : memref<3x112xf32, #tpu.memory_space<vmem>> -> memref<1x112xf32, #tpu.memory_space<vmem>>
        %dma_start3A_284 = tpu.memref_squeeze %dma_start3A_283 : memref<1x112xf32, #tpu.memory_space<vmem>> -> memref<112xf32, #tpu.memory_space<vmem>>
        %dma_start3A_285 = arith.constant 0 : i32
        %dma_start3A_286 = tpu.memref_slice %arg4[%add3A, %add3A_248, %dma_start3A_285] : memref<32x90x112xf32, #tpu.memory_space<hbm>> -> memref<1x1x112xf32, #tpu.memory_space<hbm>>
        %dma_start3A_287 = tpu.memref_squeeze %dma_start3A_286 : memref<1x1x112xf32, #tpu.memory_space<hbm>> -> memref<112xf32, #tpu.memory_space<hbm>>
        %dma_start3A_288 = arith.constant 0 : i32
        %dma_start3A_289 = tpu.memref_slice %arg7[%dma_start3A_281, %dma_start3A_288] : memref<3x112xf32, #tpu.memory_space<vmem>> -> memref<1x112xf32, #tpu.memory_space<vmem>>
        %dma_start3A_290 = tpu.memref_squeeze %dma_start3A_289 : memref<1x112xf32, #tpu.memory_space<vmem>> -> memref<112xf32, #tpu.memory_space<vmem>>
        %dma_start3A_291 = arith.constant 0 : i32
        %dma_start3A_292 = tpu.memref_slice %arg4[%add3A, %add3A_248, %dma_start3A_291] : memref<32x90x112xf32, #tpu.memory_space<hbm>> -> memref<1x1x112xf32, #tpu.memory_space<hbm>>
        %dma_start3A_293 = tpu.memref_squeeze %dma_start3A_292 : memref<1x1x112xf32, #tpu.memory_space<hbm>> -> memref<112xf32, #tpu.memory_space<hbm>>
        tpu.enqueue_dma source(%dma_start3A_293 : memref<112xf32, #tpu.memory_space<hbm>>) target(%dma_start3A_290 : memref<112xf32, #tpu.memory_space<vmem>>) target_semaphore(%arg22 : memref<!tpu.dma_semaphore, #tpu.memory_space<semaphore_mem>>)
      } else {
      }
      %add3A_217 = arith.constant 1 : i32
      %add3A_218 = arith.addi %add3A_209, %add3A_217 : i32
      %lt3A_219 = arith.constant 90 : i32
      %lt3A_220 = arith.cmpi slt, %add3A_218, %lt3A_219 : i32
      %convert_element_type3A_221 = arith.extui %lt3A_220 : i1 to i32
      %cond3A_222 = arith.constant 0 : i32
      %cond3A_223 = arith.cmpi ne, %convert_element_type3A_221, %cond3A_222 : i32
      scf.if %cond3A_223 {
        %add3A_247 = arith.constant 1 : i32
        %add3A_248 = arith.addi %add3A_209, %add3A_247 : i32
        %jit3A_249 = arith.constant 6 : i32
        %eq3A_250 = arith.constant 0 : i32
        %eq3A_251 = arith.cmpi eq, %jit3A_249, %eq3A_250 : i32
        %jit3A_252 = arith.constant 1 : i32
        %select_n3A_253 = arith.select %eq3A_251, %jit3A_252, %jit3A_249 : i32
        %rem3A_254 = arith.remsi %add3A_248, %select_n3A_253 : i32
        %ne3A_255 = arith.constant 0 : i32
        %ne3A_256 = arith.cmpi ne, %rem3A_254, %ne3A_255 : i32
        %lt3A_257 = arith.constant 0 : i32
        %lt3A_258 = arith.cmpi slt, %rem3A_254, %lt3A_257 : i32
        %lt3A_259 = arith.constant 0 : i32
        %lt3A_260 = arith.cmpi slt, %select_n3A_253, %lt3A_259 : i32
        %ne3A_261 = arith.xori %lt3A_258, %lt3A_260 : i1
        %and3A_262 = arith.andi %ne3A_261, %ne3A_256 : i1
        %add3A_263 = arith.addi %rem3A_254, %select_n3A_253 : i32
        %select_n3A_264 = arith.select %and3A_262, %add3A_263, %rem3A_254 : i32
        %dma_wait3A_265 = arith.constant 0 : i32
        %dma_wait3A_266 = arith.constant 0 : i32
        %dma_wait3A_267 = tpu.memref_slice %arg6[%select_n3A_264, %dma_wait3A_265, %dma_wait3A_266] : memref<6x2x112xi32, #tpu.memory_space<vmem>> -> memref<1x2x112xi32, #tpu.memory_space<vmem>>
        %dma_wait3A_268 = tpu.memref_squeeze %dma_wait3A_267 : memref<1x2x112xi32, #tpu.memory_space<vmem>> -> memref<2x112xi32, #tpu.memory_space<vmem>>
        %dma_wait3A_269 = arith.constant 0 : i32
        %dma_wait3A_270 = arith.constant 0 : i32
        %dma_wait3A_271 = tpu.memref_slice %arg3[%add3A, %add3A_248, %dma_wait3A_269, %dma_wait3A_270] : memref<32x90x2x112xi32, #tpu.memory_space<hbm>> -> memref<1x1x2x112xi32, #tpu.memory_space<hbm>>
        %dma_wait3A_272 = tpu.memref_squeeze %dma_wait3A_271 : memref<1x1x2x112xi32, #tpu.memory_space<hbm>> -> memref<2x112xi32, #tpu.memory_space<hbm>>
        %dma_wait3A_273 = arith.constant 0 : i32
        %dma_wait3A_274 = arith.constant 0 : i32
        %dma_wait3A_275 = tpu.memref_slice %arg6[%select_n3A_264, %dma_wait3A_273, %dma_wait3A_274] : memref<6x2x112xi32, #tpu.memory_space<vmem>> -> memref<1x2x112xi32, #tpu.memory_space<vmem>>
        %dma_wait3A_276 = tpu.memref_squeeze %dma_wait3A_275 : memref<1x2x112xi32, #tpu.memory_space<vmem>> -> memref<2x112xi32, #tpu.memory_space<vmem>>
        %dma_wait3A_277 = arith.constant 0 : i32
        %dma_wait3A_278 = arith.constant 0 : i32
        %dma_wait3A_279 = tpu.memref_slice %arg3[%add3A, %add3A_248, %dma_wait3A_277, %dma_wait3A_278] : memref<32x90x2x112xi32, #tpu.memory_space<hbm>> -> memref<1x1x2x112xi32, #tpu.memory_space<hbm>>
        %dma_wait3A_280 = tpu.memref_squeeze %dma_wait3A_279 : memref<1x1x2x112xi32, #tpu.memory_space<hbm>> -> memref<2x112xi32, #tpu.memory_space<hbm>>
        tpu.wait_dma2 semaphore(%arg18 : memref<!tpu.dma_semaphore, #tpu.memory_space<semaphore_mem>>) src(%dma_wait3A_280 : memref<2x112xi32, #tpu.memory_space<hbm>>) dst(%dma_wait3A_276 : memref<2x112xi32, #tpu.memory_space<vmem>>)
        %dma_wait3A_281 = arith.constant 0 : i32
        %dma_wait3A_282 = arith.constant 0 : i32
        %dma_wait3A_283 = tpu.memref_slice %arg7[%dma_wait3A_281, %dma_wait3A_282] : memref<3x112xf32, #tpu.memory_space<vmem>> -> memref<1x112xf32, #tpu.memory_space<vmem>>
        %dma_wait3A_284 = tpu.memref_squeeze %dma_wait3A_283 : memref<1x112xf32, #tpu.memory_space<vmem>> -> memref<112xf32, #tpu.memory_space<vmem>>
        %dma_wait3A_285 = arith.constant 0 : i32
        %dma_wait3A_286 = tpu.memref_slice %arg4[%add3A, %add3A_248, %dma_wait3A_285] : memref<32x90x112xf32, #tpu.memory_space<hbm>> -> memref<1x1x112xf32, #tpu.memory_space<hbm>>
        %dma_wait3A_287 = tpu.memref_squeeze %dma_wait3A_286 : memref<1x1x112xf32, #tpu.memory_space<hbm>> -> memref<112xf32, #tpu.memory_space<hbm>>
        %dma_wait3A_288 = arith.constant 0 : i32
        %dma_wait3A_289 = tpu.memref_slice %arg7[%dma_wait3A_281, %dma_wait3A_288] : memref<3x112xf32, #tpu.memory_space<vmem>> -> memref<1x112xf32, #tpu.memory_space<vmem>>
        %dma_wait3A_290 = tpu.memref_squeeze %dma_wait3A_289 : memref<1x112xf32, #tpu.memory_space<vmem>> -> memref<112xf32, #tpu.memory_space<vmem>>
        %dma_wait3A_291 = arith.constant 0 : i32
        %dma_wait3A_292 = tpu.memref_slice %arg4[%add3A, %add3A_248, %dma_wait3A_291] : memref<32x90x112xf32, #tpu.memory_space<hbm>> -> memref<1x1x112xf32, #tpu.memory_space<hbm>>
        %dma_wait3A_293 = tpu.memref_squeeze %dma_wait3A_292 : memref<1x1x112xf32, #tpu.memory_space<hbm>> -> memref<112xf32, #tpu.memory_space<hbm>>
        tpu.wait_dma2 semaphore(%arg21 : memref<!tpu.dma_semaphore, #tpu.memory_space<semaphore_mem>>) src(%dma_wait3A_293 : memref<112xf32, #tpu.memory_space<hbm>>) dst(%dma_wait3A_290 : memref<112xf32, #tpu.memory_space<vmem>>)
        %add3A_294 = arith.constant 1 : i32
        %add3A_295 = arith.addi %add3A_209, %add3A_294 : i32
        %jit3A_296 = arith.constant 6 : i32
        %eq3A_297 = arith.constant 0 : i32
        %eq3A_298 = arith.cmpi eq, %jit3A_296, %eq3A_297 : i32
        %jit3A_299 = arith.constant 1 : i32
        %select_n3A_300 = arith.select %eq3A_298, %jit3A_299, %jit3A_296 : i32
        %rem3A_301 = arith.remsi %add3A_295, %select_n3A_300 : i32
        %ne3A_302 = arith.constant 0 : i32
        %ne3A_303 = arith.cmpi ne, %rem3A_301, %ne3A_302 : i32
        %lt3A_304 = arith.constant 0 : i32
        %lt3A_305 = arith.cmpi slt, %rem3A_301, %lt3A_304 : i32
        %lt3A_306 = arith.constant 0 : i32
        %lt3A_307 = arith.cmpi slt, %select_n3A_300, %lt3A_306 : i32
        %ne3A_308 = arith.xori %lt3A_305, %lt3A_307 : i1
        %and3A_309 = arith.andi %ne3A_308, %ne3A_303 : i1
        %add3A_310 = arith.addi %rem3A_301, %select_n3A_300 : i32
        %select_n3A_311 = arith.select %and3A_309, %add3A_310, %rem3A_301 : i32
        %dma_start3A_312 = arith.constant 0 : i32
        %dma_start3A_313 = arith.constant 0 : i32
        %dma_start3A_314 = tpu.memref_slice %arg6[%select_n3A_311, %dma_start3A_312, %dma_start3A_313] : memref<6x2x112xi32, #tpu.memory_space<vmem>> -> memref<1x1x112xi32, #tpu.memory_space<vmem>>
        %dma_start3A_315 = tpu.memref_squeeze %dma_start3A_314 : memref<1x1x112xi32, #tpu.memory_space<vmem>> -> memref<112xi32, #tpu.memory_space<vmem>>
        %dma_start3A_316 = arith.constant 0 : i32
        %dma_start3A_317 = arith.constant 0 : i32
        %dma_start3A_318 = tpu.memref_slice %arg2[%dma_start3A_316, %dma_start3A_317] : memref<10000x128xf32, #tpu.memory_space<hbm>> -> memref<10000x128xf32, #tpu.memory_space<hbm>>
        tpu.enqueue_indirect_dma source(%dma_start3A_318 : memref<10000x128xf32, #tpu.memory_space<hbm>>) target(%arg8 : memref<112x128xf32, #tpu.memory_space<vmem>>) offsets(%dma_start3A_315 : memref<112xi32, #tpu.memory_space<vmem>>) semaphore(%arg12 : memref<!tpu.dma_semaphore, #tpu.memory_space<semaphore_mem>>)
      } else {
      }
      %jit3A_224 = arith.constant 6 : i32
      %eq3A_225 = arith.constant 0 : i32
      %eq3A_226 = arith.cmpi eq, %jit3A_224, %eq3A_225 : i32
      %jit3A_227 = arith.constant 1 : i32
      %select_n3A_228 = arith.select %eq3A_226, %jit3A_227, %jit3A_224 : i32
      %rem3A_229 = arith.remsi %add3A_209, %select_n3A_228 : i32
      %ne3A_230 = arith.constant 0 : i32
      %ne3A_231 = arith.cmpi ne, %rem3A_229, %ne3A_230 : i32
      %lt3A_232 = arith.constant 0 : i32
      %lt3A_233 = arith.cmpi slt, %rem3A_229, %lt3A_232 : i32
      %lt3A_234 = arith.constant 0 : i32
      %lt3A_235 = arith.cmpi slt, %select_n3A_228, %lt3A_234 : i32
      %ne3A_236 = arith.xori %lt3A_233, %lt3A_235 : i1
      %and3A_237 = arith.andi %ne3A_236, %ne3A_231 : i1
      %add3A_238 = arith.addi %rem3A_229, %select_n3A_228 : i32
      %select_n3A_239 = arith.select %and3A_237, %add3A_238, %rem3A_229 : i32
      %dma_wait3A_240 = arith.constant 0 : i32
      %dma_wait3A_241 = arith.constant 0 : i32
      %dma_wait3A_242 = tpu.memref_slice %arg6[%select_n3A_239, %dma_wait3A_240, %dma_wait3A_241] : memref<6x2x112xi32, #tpu.memory_space<vmem>> -> memref<1x1x112xi32, #tpu.memory_space<vmem>>
      %dma_wait3A_243 = tpu.memref_squeeze %dma_wait3A_242 : memref<1x1x112xi32, #tpu.memory_space<vmem>> -> memref<112xi32, #tpu.memory_space<vmem>>
      %dma_wait3A_244 = arith.constant 0 : i32
      %dma_wait3A_245 = arith.constant 0 : i32
      %dma_wait3A_246 = tpu.memref_slice %arg2[%dma_wait3A_244, %dma_wait3A_245] : memref<10000x128xf32, #tpu.memory_space<hbm>> -> memref<10000x128xf32, #tpu.memory_space<hbm>>
      tpu.wait_indirect_dma semaphore(%arg14 : memref<!tpu.dma_semaphore, #tpu.memory_space<semaphore_mem>>) src(%dma_wait3A_246 : memref<10000x128xf32, #tpu.memory_space<hbm>>) dst(%arg10 : memref<112x128xf32, #tpu.memory_space<vmem>>)
    }
    %scan3A_126 = arith.constant 30 : i32
    %barrier3A_127 = arith.constant 0 : index
    tpu.barrier barrier_id(%barrier3A_127)
    "tpu.region"() ({
      %run_scoped3A = tpu.sem_alloc : memref<!tpu.dma_semaphore, #tpu.memory_space<semaphore_mem>>
      %dma_start3A_128 = arith.constant 0 : i32
      %dma_start3A_129 = tpu.memref_slice %arg5[%arg0, %mul3A_7, %dma_start3A_128] : memref<2x10112x128xf32, #tpu.memory_space<hbm>> -> memref<1x632x128xf32, #tpu.memory_space<hbm>>
      %dma_start3A_130 = tpu.memref_squeeze %dma_start3A_129 : memref<1x632x128xf32, #tpu.memory_space<hbm>> -> memref<632x128xf32, #tpu.memory_space<hbm>>
      %dma_start3A_131 = arith.constant 0 : i32
      %dma_start3A_132 = tpu.memref_slice %arg11[%mul3A_7, %dma_start3A_131] : memref<10112x128xf32, #tpu.memory_space<vmem_shared>> -> memref<632x128xf32, #tpu.memory_space<vmem_shared>>
      tpu.enqueue_dma source(%dma_start3A_132 : memref<632x128xf32, #tpu.memory_space<vmem_shared>>) target(%dma_start3A_130 : memref<632x128xf32, #tpu.memory_space<hbm>>) target_semaphore(%run_scoped3A : memref<!tpu.dma_semaphore, #tpu.memory_space<semaphore_mem>>)
      %dma_wait3A_133 = arith.constant 0 : i32
      %dma_wait3A_134 = tpu.memref_slice %arg5[%arg0, %mul3A_7, %dma_wait3A_133] : memref<2x10112x128xf32, #tpu.memory_space<hbm>> -> memref<1x632x128xf32, #tpu.memory_space<hbm>>
      %dma_wait3A_135 = tpu.memref_squeeze %dma_wait3A_134 : memref<1x632x128xf32, #tpu.memory_space<hbm>> -> memref<632x128xf32, #tpu.memory_space<hbm>>
      %dma_wait3A_136 = arith.constant 0 : i32
      %dma_wait3A_137 = tpu.memref_slice %arg11[%mul3A_7, %dma_wait3A_136] : memref<10112x128xf32, #tpu.memory_space<vmem_shared>> -> memref<632x128xf32, #tpu.memory_space<vmem_shared>>
      tpu.wait_dma2 semaphore(%run_scoped3A : memref<!tpu.dma_semaphore, #tpu.memory_space<semaphore_mem>>) src(%dma_wait3A_137 : memref<632x128xf32, #tpu.memory_space<vmem_shared>>) dst(%dma_wait3A_135 : memref<632x128xf32, #tpu.memory_space<hbm>>)
      tpu.yield
    }) : () -> ()
    return
  }
}

</mosaic_0001>

<sc_bundles>
// kernel: _sc_aggregate.3.cloned.1.call-start
scs
__scs_entry_jumppad:
0x0: {  	(pc) =	sbr.rel $0x88, $3  }
0x1: {  	(tag) =	ssettag $0x0;
	lr =	simm.s32 $0x1  }
0x2: {  	[smem:$0x3F9E] =	sst lr;
	_ =	strace $0xD0000000  }
0x3: {  	_ = 	snop  }
0x4: {  	_ = 	snop  }
0x5: {  	_ = 	snop  }
0x6: {  	_ = 	snop  }
0x7: {  	_ = 	snop  }
__scs_overlays_trampoline_lowered:
0x8: {  	[smem:$0x3FAD] =	sst s0  }
0x9: {  	[smem:$0x3FAE] =	sst s1  }
0xa: {  	[smem:$0x3FAF] =	sst s2  }
0xb: {  	[smem:$0x3FB0] =	sst s3  }
0xc: {  	[smem:$0x3FB1] =	sst s4  }
0xd: {  	[smem:$0x3FB2] =	sst s5  }
0xe: {  	[smem:$0x3FB3] =	sst s6  }
0xf: {  	[smem:$0x3FB4] =	sst s7  }
0x10: {  	[smem:$0x3FB5] =	sst s8  }
0x11: {  	[smem:$0x3FB6] =	sst s9;
	s0 =	simm.s32 @!p0 $0x0  }
0x12: {  	s1 =	sld [smem:$0x3F9C];
	s0 =	simm.s32 @p0 $0x1  }
0x13: {  	[smem:$0x3FB7] =	sst s0;
	s0 =	simm.s32 @!p1 $0x0  }
0x14: {  	s2 =	sld [smem:$0x3F9B];
	s0 =	simm.s32 @p1 $0x1  }
0x15: {  	[smem:$0x3FB8] =	sst s0;
	s0 =	simm.s32 @!p2 $0x0  }
0x16: {  	s3 =	sld [smem:$0x3FDB];
	s0 =	simm.s32 @p2 $0x1  }
0x17: {  	s4 =	simm.s32 $0x1BF5;
	[smem:$0x3FBA] =	sst s0  }
0x18: {  	s0 =	sld [smem:$0x3F9D];
	_ =	swait.ge [sflag:s4], $0x0  }
0x19: {  	s7 =	sld [smem:$0x3F9E]  }
0x1a: {  	s8 =	sadd.s32 $0xFFFFE003, lr  }
0x1b: {  	s9 =	sadd.s32 $0xFFFFFEF7, lr;
	s5 =	simm.s32 $0xFFFFFFFF;
	p2 =	slt.u32 s8, $0xFFFFF086  }
0x1c: {  	p1 =	slt.u32 s9, $0xF7A;
	s5 =	simm.s32 @!p2 $0x0  }
0x1d: {  	s5 =	simm.s32 @p1 $0x1;
	p0 =	seq.s32 s7, s2  }
0x1e: {  	s7 =	smul.u32 @!p0 $0xF7A, s2;
	p2 =	seq.s32 @!p0 s5, $0x0  }
0x1f: {  	s9 =	smul.u32 $0xF7A, s1;
	s8 =	simm.s32 @!p0 $0x1BF5;
	p2 =	por !p2, p0  }
0x20: {  	[sflag:s8] =	ssyncset.s32 @!p0 $0xFFFFF086;
	s6 =	sadd.s32 @!p0 s3, s7;
	s7 =	simm.s32 @!p0 $0x108  }
0x21: {  	s3 =	sadd.s32 s3, s9;
	s6 =	sadd.s32 @!p0 $0x88, s6;
	s7 =	simm.s32 @p2 $0x1082  }
0x22: {  	[simem:s7], [sflag:s8] =	dma.local @!p0 [hbm:s6], $0xF7A  }
0x23: {  	s9 =	sor.u32 $0xD0000000, s2;
	s6 =	simm.s32 $0x108;
	_ =	swait.ge @!p0 [sflag:s8], $0x0  }
0x24: {  	s3 =	sadd.s32 $0x88, s3;
	s6 =	simm.s32 @!p1 $0x1082;
	[sflag:s4] =	ssyncset.s32 $0xFFFFF086  }
0x25: {  	[simem:s6], [sflag:s4] =	dma.local [hbm:s3], $0xF7A  }
0x26: {  	[smem:$0x3F9E] =	sst s1;
	(tag) =	ssettag s2;
	_ =	strace s9  }
0x27: {  	s1 =	sld [smem:$0x3FAE]  }
0x28: {  	s2 =	sld [smem:$0x3FAF]  }
0x29: {  	s4 =	sld [smem:$0x3FB1]  }
0x2a: {  	p0 =	seq.s32 s5, $0x0;
	s5 =	sld [smem:$0x3FB2]  }
0x2b: {  	s6 =	sld [smem:$0x3FB3]  }
0x2c: {  	s7 =	sld [smem:$0x3FB4]  }
0x2d: {  	s3 =	simm.s32 $0x108;
	s8 =	sld [smem:$0x3FB5]  }
0x2e: {  	s3 =	simm.s32 @!p0 $0x1082;
	s9 =	sld [smem:$0x3FB6]  }
0x2f: {  	lr =	sadd.s32 s0, s3;
	s0 =	sld [smem:$0x3FAD]  }
0x30: {  	s3 =	sld [smem:$0x3FB0]  }
0x31: {  	[smem:$0x3FB9] =	sst s10  }
0x32: {  	s10 =	sld [smem:$0x3FB7];
	_ =	sdelay $0x3  }
0x33: {  	p0 =	seq.s32 s10, $0x1;
	s10 =	sld [smem:$0x3FB9];
	_ =	sdelay $0x3  }
0x34: {  	[smem:$0x3FB9] =	sst s10  }
0x35: {  	s10 =	sld [smem:$0x3FB8];
	_ =	sdelay $0x3  }
0x36: {  	p1 =	seq.s32 s10, $0x1;
	s10 =	sld [smem:$0x3FB9];
	_ =	sdelay $0x3  }
0x37: {  	[smem:$0x3FB9] =	sst s10  }
0x38: {  	s10 =	sld [smem:$0x3FBA]  }
0x39: {  	_ = 	snop;
	(pc) =	sbr.ind lr, $3  }
0x3a: {  	_ = 	snop  }
0x3b: {  	_ = 	snop  }
0x3c: {  	p2 =	seq.s32 s10, $0x1;
	s10 =	sld [smem:$0x3FB9]  }
0x3d: {  	_ =	shalt  }
0x3e: {  	_ =	shalt  }
0x3f: {  	_ =	shalt  }
0x40: {  	_ =	shalt  }
0x41: {  	_ =	shalt  }
0x42: {  	_ =	shalt  }
0x43: {  	_ =	shalt  }
0x44: {  	_ =	shalt  }
0x45: {  	_ =	shalt  }
0x46: {  	_ =	shalt  }
0x47: {  	_ =	shalt  }
0x48: {  	_ =	shalt  }
0x49: {  	_ =	shalt  }
0x4a: {  	_ =	shalt  }
0x4b: {  	_ =	shalt  }
0x4c: {  	_ =	shalt  }
0x4d: {  	_ =	shalt  }
0x4e: {  	_ =	shalt  }
0x4f: {  	_ =	shalt  }
0x50: {  	_ =	shalt  }
0x51: {  	_ =	shalt  }
0x52: {  	_ =	shalt  }
0x53: {  	_ =	shalt  }
0x54: {  	_ =	shalt  }
0x55: {  	_ =	shalt  }
0x56: {  	_ =	shalt  }
0x57: {  	_ =	shalt  }
0x58: {  	_ =	shalt  }
0x59: {  	_ =	shalt  }
0x5a: {  	_ =	shalt  }
0x5b: {  	_ =	shalt  }
0x5c: {  	_ =	shalt  }
0x5d: {  	_ =	shalt  }
0x5e: {  	_ =	shalt  }
0x5f: {  	_ =	shalt  }
0x60: {  	_ =	shalt  }
0x61: {  	_ =	shalt  }
0x62: {  	_ =	shalt  }
0x63: {  	_ =	shalt  }
0x64: {  	_ =	shalt  }
0x65: {  	_ =	shalt  }
0x66: {  	_ =	shalt  }
0x67: {  	_ =	shalt  }
0x68: {  	_ =	shalt  }
0x69: {  	_ =	shalt  }
0x6a: {  	_ =	shalt  }
0x6b: {  	_ =	shalt  }
0x6c: {  	_ =	shalt  }
0x6d: {  	_ =	shalt  }
0x6e: {  	_ =	shalt  }
0x6f: {  	_ =	shalt  }
0x70: {  	_ =	shalt  }
0x71: {  	_ =	shalt  }
0x72: {  	_ =	shalt  }
0x73: {  	_ =	shalt  }
0x74: {  	_ =	shalt  }
0x75: {  	_ =	shalt  }
0x76: {  	_ =	shalt  }
0x77: {  	_ =	shalt  }
0x78: {  	_ =	shalt  }
0x79: {  	_ =	shalt  }
0x7a: {  	_ =	shalt  }
0x7b: {  	_ =	shalt  }
0x7c: {  	_ =	shalt  }
0x7d: {  	_ =	shalt  }
0x7e: {  	_ =	shalt  }
0x7f: {  	_ =	shalt  }
0x80: {  	_ =	shalt  }
0x81: {  	_ =	shalt  }
0x82: {  	_ =	shalt  }
0x83: {  	_ =	shalt  }
0x84: {  	_ =	shalt  }
0x85: {  	_ =	shalt  }
0x86: {  	_ =	shalt  }
0x87: {  	_ =	shalt  }
.Lfunc_end0:
.L_simem_size_0:
called_computation_lowered:
.L_overlay_start_0:
0x88: {  	s2 =	sld [smem:$0x3FD9]  }
0x89: {  	s3 =	sld [smem:$0x3FFE];
	_ =	sdelay $0x1  }
0x8a: {  	s1 =	srdreg.scid  }
0x8b: {  	s0 =	sand.u32 $0x1, s1  }
0x8c: {  	s17 =	sshll.u32 s0, $0xA;
	s2 =	sadd.s32 s3, s2  }
0x8d: {  	s2 =	sadd.s32 s2, s17  }
0x8e: {  	[smem:$0x3FC5] =	sst s2  }
0x8f: {  	_ = 	snop  }
0x90: {  	s2 =	sld [smem:$0x3FC9]  }
0x91: {  	s18 =	sld [smem:$0x3FC8]  }
0x92: {  	s4 =	sld [smem:$0x3FD0];
	(tm) =	ssettm $0x1  }
0x93: {  	s5 =	sld [smem:$0x3FFB];
	_ =	sdelay $0x3  }
0x94: {  	_ =	strace s5  }
0x95: {  	s5 =	sld [smem:$0x3FFC];
	_ =	sdelay $0x3  }
0x96: {  	_ =	strace s5  }
0x97: {  	s5 =	sld [smem:$0x3FFD];
	_ =	sdelay $0x3  }
0x98: {  	_ =	strace s5  }
0x99: {  	_ =	strace $0x8FFFFFFF  }
0x9a: {  	s19 =	sld [smem:$0x3FDB];
	_ =	sdelay $0x1  }
0x9b: {  	s6 =	simm.s32 $_scs_section_size  }
0x9c: {  	s7 =	simm.s32 $_size__tile_overlayer_lowered;
	s8 =	simm.s32 $_tile_overlayer_lowered  }
0x9d: {  	s22 =	simm.s32 $0x1BFF;
	s21 =	sshll.u32 s8, $0x1;
	s5 =	sadd.s32 s6, s19  }
0x9e: {  	s9 =	simm.s32 $0x0;
	s20 =	sshll.u32 s7, $0x1;
	s7 =	sadd.s32 s21, s5  }
0x9f: {  	[timem:s9], [sflag:s22] =	dma.local [hbm:s7], s20  }
0xa0: {  	_ =	swait.ge [sflag:s22], s20  }
0xa1: {  	s6 =	ssub.s32 $0x0, s20;
	[sflag:s22] =	ssyncset.done $0x0  }
0xa2: {  	[sflag:s22] =	ssyncadd.s32 s6;
	_ =	sdelay $0x1  }
0xa3: {  	s23 =	simm.s32 $0x1B8B  }
0xa4: {  	_ =	swait.ge [sflag:s23], $0x1  }
0xa5: {  	[sflag:s23] =	ssyncset.done $0x0  }
0xa6: {  	s25 =	simm.s32 $0x1B8E;
	s24 =	sld [smem:$0x3FFE];
	[sflag:s23] =	ssyncadd.s32 $0xFFFFFFFF  }
0xa7: {  	s26 =	simm.s32 $execute0_lowered;
	[smem:$0x3FD2] =	sst s25  }
0xa8: {  	s7 =	sshll.u32 s26, $0x1;
	_ =	strace $0x80000046;
	[dreg:$0x1] =	wrdreg $0xFFFFFFFF  }
0xa9: {  	s28 =	simm.s32 $_size_execute0_lowered;
	s5 =	sadd.s32 s5, s7;
	[dreg:$0x0] =	wrdreg $0x0  }
0xaa: {  	s7 =	sshll.u32 s28, $0x1;
	[dreg:$0x2] =	wrdreg s5  }
0xab: {  	[dreg:$0x3] =	wrdreg s7  }
0xac: {  	[dreg:$0x4] =	wrdreg $0xC0  }
0xad: {  	_ =	task [dreg:s9], $0x5FFFF  }
0xae: {  	[dreg:$0x1] =	wrdreg $0xFFFFFFFF  }
0xaf: {  	[dreg:$0x0] =	wrdreg $0x60  }
0xb0: {  	[dreg:$0x2] =	wrdreg s2  }
0xb1: {  	[dreg:$0x3] =	wrdreg s18  }
0xb2: {  	[dreg:$0x4] =	wrdreg s24  }
0xb3: {  	[dreg:$0x5] =	wrdreg s4  }
0xb4: {  	[dreg:$0x6] =	wrdreg $0xB0000  }
0xb5: {  	[dreg:$0x7] =	wrdreg $0x9  }
0xb6: {  	_ =	task.clear_ibuf [dreg:s9], $0x8FFFF;
	_ =	strace $0x90000046  }
0xb7: {  	s29 =	simm.s32 $0x9;
	_ =	strace $0x80000048  }
0xb8: {  	_ =	swait.ge [sflag:s29], $0x1  }
0xb9: {  	[sflag:s29] =	ssyncadd.s32 $0xFFFFFFFF  }
0xba: {  	_ =	strace $0x90000048  }
0xbb: {  	_ =	sfence  }
0xbc: {  	s30 =	sld [smem:$0x0];
	_ =	sdelay $0x2  }
0xbd: {  	s31 =	sshll.u32 s1, $0xD;
	s1 =	sshrl.u32 s1, $0x2  }
0xbe: {  	s3 =	sand.u32 $0x4000, s31;
	s1 =	sadd.s32 s1, s30  }
0xbf: {  	s0 =	sor.u32 s3, s0;
	s1 =	sshll.u32 s1, $0x11  }
0xc0: {  	s0 =	sor.u32 s1, s0  }
0xc1: {  	s0 =	sadd.s32 $0x8F2B, s0  }
0xc2: {  	[sflag:s0] =	ssyncadd.remote.s32 $0x1  }
0xc3: {  	_ =	sfence.sel $0xFFFF  }
0xc4: {  	[dreg:$0x0] =	wrdreg $0xFFFFFFFF;
	(pc) =	sbr.abs _section_cstart, $3  }
0xc5: {  	[dreg:$0x1] =	wrdreg $0xFFFFFFFF  }
0xc6: {  	_ =	task.clear_ibuf [dreg:s9], $0x2FFFF;
	_ =	strace $0x9FFFFFFF  }
0xc7: {  	(tm) =	ssettm $0x7FFFFFFF  }
tec
execute0_lowered:
.L_overlay_start_1:
0x0: {  	(tag) =	ssettag $0x1  }
0x1: {  	s1 =	rddreg [dreg:$0x0]  }
0x2: {  	s2 =	rddreg [dreg:$0x1]  }
0x3: {  	s0 =	rddreg [dreg:$0x2]  }
0x4: {  	s3 =	rddreg [dreg:$0x3]  }
0x5: {  	s6 =	rddreg [dreg:$0x4];
	s4 =	simm.s32 $0x0  }
0x6: {  	s5 =	srdreg.scid;
	s12 =	stileid.u32;
	s30 =	simm.s32 $0x70  }
0x7: {  	s31 =	simm.s32 $0x5;
	[smem:$0x7FF] =	sst s4;
	s9 =	smul.u32 $0x4F000, s12  }
0x8: {  	s8 =	sand.u32 $0x1, s5;
	s7 =	sshll.u32 s12, $0x1;
	s16 =	smul.u32 $0x13C00, s12  }
0x9: {  	s5 =	sadd.s32 $0x400, s0;
	s19 =	smul.u32 $0xB400, s12;
	_ =	strace $0x80000047  }
0xa: {  	s24 =	sor.u32 s8, s7;
	s29 =	smul.u32 $0x13C000, s8;
	s25 =	sshrl.u32 s9, $0x2  }
0xb: {  	s10 =	ssub.s32 $0x2, s8;
	s8 =	smul.u32 $0x5A00, s8;
	s13 =	sadd.s32 s25, s6  }
0xc: {  	s26 =	smul.u32 $0x5A00, s24;
	s6 =	sadd.s32 $0x3800, s13;
	[dreg:$0x8] =	wrdreg s13  }
0xd: {  	s11 =	sshrl.u32 s10, $0x1;
	s14 =	sadd.s32 $0x7000, s13;
	[dreg:$0x9] =	wrdreg s6  }
0xe: {  	s7 =	smul.u32 $0x3000, s24;
	s15 =	sadd.s32 $0xA800, s13;
	[dreg:$0xa] =	wrdreg s14  }
0xf: {  	s28 =	ssub.s32 s10, s11;
	s17 =	sadd.s32 $0xE000, s13;
	[dreg:$0xb] =	wrdreg s15  }
0x10: {  	s8 =	sadd.s32 s8, s19;
	s18 =	sadd.s32 $0x11800, s13;
	[dreg:$0xc] =	wrdreg s17  }
0x11: {  	s9 =	sshrl.u32 s26, $0x3;
	s0 =	smax.u32 s28, $0x1;
	[dreg:$0xd] =	wrdreg s18  }
0x12: {  	s20 =	sshrl.u32 s7, $0x3;
	s25 =	sadd.s32 $0x300, s8;
	[dreg:$0x13] =	wrdreg s0  }
0x13: {  	s22 =	sadd.s32 $0x400, s8;
	s28 =	simm.s32 $0x700;
	[dreg:$0x15] =	wrdreg s25  }
0x14: {  	s24 =	sadd.s32 $0x200, s8;
	s9 =	sadd.s32 s2, s9;
	[dreg:$0x6] =	wrdreg s28  }
0x15: {  	s12 =	sadd.s32 s5, s20;
	s6 =	sadd.s32 s16, s29;
	[dreg:$0xe] =	wrdreg s9  }
0x16: {  	s23 =	sshrl.u32 s22, $0x3;
	s29 =	simm.s32 $0x4000;
	[dreg:$0xf] =	wrdreg s12  }
0x17: {  	s26 =	sshrl.u32 s24, $0x3;
	s9 =	sadd.s32 $0x20, s9;
	[dreg:$0x7] =	wrdreg s29  }
0x18: {  	s24 =	simm.s32 $0x1;
	s21 =	sadd.s32 $0x10, s12;
	[dreg:$0x10] =	wrdreg s9  }
0x19: {  	s6 =	sshrl.u32 s6, $0x3;
	s0 =	sadd.s32 s23, s2;
	[dreg:$0x11] =	wrdreg s21  }
0x1a: {  	s25 =	simm.s32 $0x3;
	s3 =	sadd.s32 s3, s6;
	[dreg:$0x14] =	wrdreg s0  }
0x1b: {  	s23 =	simm.s32 $0xA;
	s0 =	sadd.s32 s26, s2;
	[dreg:$0x12] =	wrdreg s3  }
0x1c: {  	v0 =	vimm.f32 $0.0e+00;
	s6 =	simm.s32 $0x0;
	[dreg:$0x16] =	wrdreg s0;
	s0 =	simm.s32 $0x8  }
.LBB2_1:
0x1d: {  	[dreg:$0x17] =	wrdreg s6;
	s3 =	simm.s32 $0x0;
	s6 =	simm.s32 $0x200  }
.LBB2_2:
0x1e: {  	p0 =	sne.s32 s6, $0xDE00;
	[tilespmem:s3+$0x870] =	vst v0  }
0x1f: {  	[tilespmem:s3+$0x800] =	vst v0  }
0x20: {  	[tilespmem:s3+$0x810] =	vst v0  }
.Ltmp0:
0x21: {  	[tilespmem:s3+$0x820] =	vst v0;
	(pc) =	sbr.rel @p0 .LBB2_2-.Ltmp0, $4  }
0x22: {  	[tilespmem:s3+$0x830] =	vst v0  }
0x23: {  	[tilespmem:s3+$0x840] =	vst v0  }
0x24: {  	[tilespmem:s3+$0x850] =	vst v0  }
0x25: {  	[tilespmem:s3+$0x860] =	vst v0;
	s3 =	sshra.s32 s6, $0x2;
	s6 =	sadd.s32 $0x200, s6  }
0x26: {  	[tilespmem:s3+$0x870] =	vst v0  }
0x27: {  	[tilespmem:s3+$0x800] =	vst v0  }
0x28: {  	[tilespmem:s3+$0x810] =	vst v0  }
0x29: {  	[tilespmem:s3+$0x820] =	vst v0  }
0x2a: {  	[tilespmem:s3+$0x830] =	vst v0  }
0x2b: {  	[tilespmem:s3+$0x840] =	vst v0  }
0x2c: {  	[tilespmem:s3+$0x850] =	vst v0  }
0x2d: {  	[tilespmem:s3+$0x860] =	vst v0;
	s8 =	simm.s32 $0x800  }
0x2e: {  	[spmem:s13] =	stream.linear.scatter [tilespmem:s8], [sflag:$0xA], $0x3800, $0x38;
	[tilespmem:$0x1EC00] =	vst v63  }
0x2f: {  	_ =	swait.ge [sflag:s23], $0x3800  }
0x30: {  	[sflag:s23] =	ssyncset.done $0x0  }
0x31: {  	s15 =	rddreg [dreg:$0x9];
	[sflag:s23] =	ssyncadd.s32 $0xFFFFC800  }
0x32: {  	[spmem:s15] =	stream.linear.scatter [tilespmem:s8], [sflag:$0xA], $0x3800, $0x38;
	[tilespmem:$0x1EC00] =	vst v63  }
0x33: {  	_ =	swait.ge [sflag:s23], $0x3800  }
0x34: {  	[sflag:s23] =	ssyncset.done $0x0  }
0x35: {  	s16 =	rddreg [dreg:$0xa];
	[sflag:s23] =	ssyncadd.s32 $0xFFFFC800  }
0x36: {  	[spmem:s16] =	stream.linear.scatter [tilespmem:s8], [sflag:$0xA], $0x3800, $0x38;
	[tilespmem:$0x1EC00] =	vst v63  }
0x37: {  	_ =	swait.ge [sflag:s23], $0x3800  }
0x38: {  	[sflag:s23] =	ssyncset.done $0x0  }
0x39: {  	s17 =	rddreg [dreg:$0xb];
	[sflag:s23] =	ssyncadd.s32 $0xFFFFC800  }
0x3a: {  	[spmem:s17] =	stream.linear.scatter [tilespmem:s8], [sflag:$0xA], $0x3800, $0x38;
	[tilespmem:$0x1EC00] =	vst v63  }
0x3b: {  	_ =	swait.ge [sflag:s23], $0x3800  }
0x3c: {  	[sflag:s23] =	ssyncset.done $0x0  }
0x3d: {  	s18 =	rddreg [dreg:$0xc];
	[sflag:s23] =	ssyncadd.s32 $0xFFFFC800  }
0x3e: {  	[spmem:s18] =	stream.linear.scatter [tilespmem:s8], [sflag:$0xA], $0x3800, $0x38;
	[tilespmem:$0x1EC00] =	vst v63  }
0x3f: {  	_ =	swait.ge [sflag:s23], $0x3800  }
0x40: {  	[sflag:s23] =	ssyncset.done $0x0  }
0x41: {  	s19 =	rddreg [dreg:$0xd];
	[sflag:s23] =	ssyncadd.s32 $0xFFFFC800  }
0x42: {  	[spmem:s19] =	stream.linear.scatter [tilespmem:s8], [sflag:$0xA], $0x2400, $0x38;
	[tilespmem:$0x1EC00] =	vst v63  }
0x43: {  	s6 =	simm.s32 $0x0;
	_ =	swait.ge [sflag:s23], $0x2400  }
0x44: {  	s9 =	simm.s32 $0x600;
	s26 =	simm.s32 $0x100;
	[sflag:s23] =	ssyncset.done $0x0  }
0x45: {  	s10 =	simm.s32 $0x680;
	s11 =	simm.s32 $0x4;
	[sflag:s23] =	ssyncadd.s32 $0xFFFFDC00  }
0x46: {  	s12 =	simm.s32 $0x7;
	s13 =	simm.s32 $0x2;
	[bflag:$0x0] =	sbarrier.arrive $0xFFFF  }
0x47: {  	s14 =	simm.s32 $0x1;
	s3 =	smul.u32 $0xAB, s13;
	s20 =	rddreg [dreg:$0xe]  }
0x48: {  	[tilespmem:s6], [sflag:$0x4] =	stream.linear.gather [hbm4b:s20+s6], $0x100, $0x38;
	[tilespmem:$0x1EC00] =	vst v63  }
0x49: {  	p0 =	por $0x0, $0x0;
	s3 =	sshrl.u32 s3, $0xA;
	s21 =	rddreg [dreg:$0xf]  }
0x4a: {  	[tilespmem:s9], [sflag:$0x7] =	stream.linear.gather [hbm4b:s21+s6], $0x80, $0x38;
	[tilespmem:$0x1EC00] =	vst v63  }
0x4b: {  	s28 =	simm.s32 $0x5;
	s3 =	sand.u32 $0x3F, s3;
	s22 =	rddreg [dreg:$0x10]  }
0x4c: {  	[tilespmem:s26], [sflag:$0x5] =	stream.linear.gather [hbm4b:s22+s6], $0x100, $0x38;
	[tilespmem:$0x1EC00] =	vst v63  }
0x4d: {  	s15 =	smul.u32 $0x6, s3;
	s16 =	sand.u32 $0xFF, s14;
	s9 =	rddreg [dreg:$0x11]  }
0x4e: {  	[tilespmem:s10], [sflag:$0x8] =	stream.linear.gather [hbm4b:s9+s6], $0x80, $0x38;
	[tilespmem:$0x1EC00] =	vst v63  }
0x4f: {  	s3 =	simm.s32 $0x3;
	s10 =	smul.u32 $0xAB, s16;
	_ =	swait.ge [sflag:s11], $0x100  }
0x50: {  	s22 =	smul.u32 $0xAB, s28;
	s9 =	ssub.s32 $0x2, s15;
	[sflag:s11] =	ssyncset.done $0x0  }
0x51: {  	s15 =	simm.s32 @!p0 $0x70;
	s10 =	sshrl.u32 s10, $0xA;
	[sflag:s11] =	ssyncadd.s32 $0xFFFFFF00  }
0x52: {  	s9 =	sand.u32 $0xFF, s9;
	s17 =	smul.u32 $0x6, s10;
	_ =	swait.ge [sflag:s12], $0x80  }
0x53: {  	s11 =	simm.s32 $0x100;
	s10 =	simm.s32 $0x6;
	[sflag:s12] =	ssyncset.done $0x0  }
0x54: {  	s19 =	ssub.s32 $0x1, s17;
	[sflag:s12] =	ssyncadd.s32 $0xFFFFFF80;
	s12 =	sand.u32 $0x7C00, s11  }
0x55: {  	[tilespmem:s8], [sflag:$0x1] =	stream.indirect.gather [hbm4b:s1+s30], $0x80, s6, s30, $0xb8;
	[tilespmem:$0x1EC00] =	vst v63  }
0x56: {  	s20 =	rddreg [dreg:$0x6];
	s11 =	sand.u32 $0x380, s11;
	s14 =	sadd.s32 s7, s12  }
0x57: {  	s21 =	rddreg [dreg:$0x16];
	s8 =	simm.s32 $0x200;
	s18 =	sor.u32 s11, s14  }
0x58: {  	s12 =	sshll.u32 s9, $0x8;
	s6 =	smul.u32 @!p0 $0xAB, s6;
	s9 =	sshrl.u32 s18, $0x3  }
0x59: {  	[tilespmem:s12], [sflag:$0x6] =	stream.linear.gather [hbm4b:s21+s4], $0x100, $0x38;
	[tilespmem:$0x1EC00] =	vst v63  }
0x5a: {  	s11 =	sand.u32 $0xFF, s19;
	s14 =	simm.s32 @!p0 $0x180;
	s9 =	sadd.s32 s5, s9  }
0x5b: {  	[tilespmem:s20], [sflag:$0x9] =	stream.linear.gather [hbm4b:s9+s4], $0x80, $0x38;
	[tilespmem:$0x1EC00] =	vst v63  }
0x5c: {  	s13 =	sadd.s32 @!p0 $0x201, s6;
	s6 =	sadd.s32 @!p0 $0x2AC, s6;
	_ =	swait.ge [sflag:s31], $0x100  }
0x5d: {  	s11 =	sshll.u32 s11, $0x8;
	s17 =	sand.u32 @!p0 $0x7C00, s14;
	[sflag:s31] =	ssyncset.done $0x0  }
0x5e: {  	s14 =	sand.u32 @!p0 $0x380, s14;
	s13 =	sshrl.u32 @!p0 s13, $0xA;
	[sflag:s31] =	ssyncadd.s32 $0xFFFFFF00  }
0x5f: {  	s17 =	sadd.s32 @!p0 s7, s17;
	s26 =	rddreg [dreg:$0x15];
	_ =	swait.ge [sflag:s0], $0x80  }
0x60: {  	s6 =	sshrl.u32 @!p0 s6, $0xA;
	s13 =	sand.u32 @!p0 $0x3F, s13;
	[sflag:s0] =	ssyncset.done $0x0  }
0x61: {  	s14 =	sor.u32 @!p0 s14, s17;
	s16 =	rddreg [dreg:$0x7];
	[sflag:s0] =	ssyncadd.s32 $0xFFFFFF80  }
0x62: {  	[tilespmem:s16], [sflag:$0x2] =	stream.indirect.gather [hbm4b:s1+s30], $0x80, s11, s30, $0xb8;
	[tilespmem:$0x1EC00] =	vst v63  }
0x63: {  	s17 =	simm.s32 @p0 $0x6;
	s20 =	simm.s32 @!p0 $0x600;
	_ =	swait.ge [sflag:s24], $0x3800  }
0x64: {  	s6 =	sand.u32 @!p0 $0x3F, s6;
	s14 =	sshrl.u32 @!p0 s14, $0x3;
	[sflag:s24] =	ssyncset.done $0x0  }
0x65: {  	s6 =	smul.u32 @!p0 $0x6, s6;
	s19 =	sadd.s32 @!p0 s5, s14;
	[sflag:s24] =	ssyncadd.s32 $0xFFFFC800  }
0x66: {  	s14 =	simm.s32 @p0 $0x2;
	s9 =	sshrl.u32 @!p0 s26, $0x3;
	_ =	swait.ge @p0 [sflag:s17], $0x100  }
0x67: {  	s6 =	ssub.s32 @!p0 $0x0, s6;
	s11 =	smul.u32 @!p0 $0x6, s13;
	[sflag:s17] =	ssyncset.done @p0 $0x0  }
0x68: {  	s16 =	simm.s32 @p0 $0x9;
	s13 =	sand.u32 @!p0 $0x7C00, s8;
	[sflag:s17] =	ssyncadd.s32 @p0 $0xFFFFFF00  }
0x69: {  	s8 =	sand.u32 @!p0 $0x380, s8;
	s18 =	sadd.s32 @!p0 s7, s13;
	_ =	swait.ge @p0 [sflag:s16], $0x80  }
0x6a: {  	s11 =	ssub.s32 @!p0 $0x0, s11;
	s17 =	sor.u32 @!p0 s8, s18;
	[sflag:s16] =	ssyncset.done @p0 $0x0  }
0x6b: {  	s8 =	simm.s32 @p0 $0x70;
	[sflag:s16] =	ssyncadd.s32 @p0 $0xFFFFFF80;
	s16 =	simm.s32 @p0 $0x7800  }
0x6c: {  	[tilespmem:s16], [sflag:$0x3] =	stream.indirect.gather @p0 [hbm4b:s1+s8], $0x80, s12, s8, $0xb8;
	[tilespmem:$0x1EC00] =	vst v63  }
0x6d: {  	s9 =	sadd.s32 @!p0 s2, s9;
	s11 =	sadd.s32 @!p0 $0x3, s11;
	_ =	swait.ge @p0 [sflag:s14], $0x3800  }
0x6e: {  	s6 =	sadd.s32 @!p0 $0x4, s6;
	s11 =	sand.u32 @!p0 $0xFF, s11;
	[sflag:s14] =	ssyncset.done @p0 $0x0  }
0x6f: {  	s13 =	simm.s32 @!p0 $0x0;
	[sflag:s14] =	ssyncadd.s32 @p0 $0xFFFFC800;
	s14 =	sshll.u32 @!p0 s11, $0x8  }
0x70: {  	[tilespmem:s14], [sflag:$0x4] =	stream.linear.gather @!p0 [hbm4b:s9+s13], $0x100, $0x38;
	[tilespmem:$0x1EC00] =	vst v63  }
0x71: {  	s6 =	sand.u32 @!p0 $0xFF, s6;
	s18 =	simm.s32 @!p0 $0x9;
	s11 =	simm.s32 @!p0 $0x6  }
0x72: {  	[tilespmem:s20], [sflag:$0x7] =	stream.linear.gather @!p0 [hbm4b:s19+s13], $0x80, $0x38;
	[tilespmem:$0x1EC00] =	vst v63  }
0x73: {  	s17 =	sshrl.u32 @!p0 s17, $0x3;
	s16 =	sadd.s32 $0x60, s21;
	_ =	swait.ge @!p0 [sflag:s11], $0x100  }
0x74: {  	s21 =	simm.s32 @!p0 $0x7800;
	s8 =	simm.s32 $0x380;
	[sflag:s11] =	ssyncset.done @!p0 $0x0  }
0x75: {  	s9 =	sshrl.u32 s22, $0xA;
	s22 =	sshll.u32 @!p0 s6, $0x8;
	[sflag:s11] =	ssyncadd.s32 @!p0 $0xFFFFFF00  }
0x76: {  	s9 =	sand.u32 $0x3F, s9;
	s20 =	simm.s32 $0x280;
	_ =	swait.ge @!p0 [sflag:s18], $0x80  }
0x77: {  	s6 =	smul.u32 $0x6, s9;
	s29 =	sand.u32 $0x7C00, s20;
	s19 =	rddreg [dreg:$0x14]  }
0x78: {  	s11 =	sadd.s32 $0x300, s26;
	[sflag:s18] =	ssyncset.done @!p0 $0x0;
	s9 =	sadd.s32 $0x60, s19  }
.LBB2_4:
0x79: {  	[sflag:s18] =	ssyncadd.s32 @!p0 $0xFFFFFF80;
	s26 =	simm.s32 @!p0 $0x2;
	s18 =	smov.u32 s3  }
0x7a: {  	[tilespmem:s21], [sflag:$0x3] =	stream.indirect.gather @!p0 [hbm4b:s1+s15], $0x80, s12, s15, $0xb8;
	[tilespmem:$0x1EC00] =	vst v63  }
0x7b: {  	s3 =	smov.u32 s10;
	s10 =	sadd.s32 $0x3, s10;
	_ =	swait.ge @!p0 [sflag:s26], $0x3800  }
0x7c: {  	s21 =	sadd.s32 $0x1, s18;
	s12 =	sadd.s32 @!p0 s5, s17;
	[sflag:s26] =	ssyncset.done @!p0 $0x0  }
0x7d: {  	s17 =	simm.s32 @!p0 $0x4;
	[sflag:s26] =	ssyncadd.s32 @!p0 $0xFFFFC800;
	s26 =	sand.u32 $0xFF, s21  }
0x7e: {  	[tilespmem:s22], [sflag:$0x5] =	stream.linear.gather @!p0 [hbm4b:s19+s13], $0x100, $0x38;
	[tilespmem:$0x1EC00] =	vst v63  }
0x7f: {  	s6 =	ssub.s32 s28, s6;
	s19 =	simm.s32 @!p0 $0x680;
	s26 =	smul.u32 $0xAB, s26  }
0x80: {  	[tilespmem:s19], [sflag:$0x8] =	stream.linear.gather @!p0 [hbm4b:s12+s13], $0x80, $0x38;
	[tilespmem:$0x1EC00] =	vst v63  }
0x81: {  	s20 =	sand.u32 $0x380, s20;
	s6 =	sand.u32 $0xFF, s6;
	_ =	swait.ge @!p0 [sflag:s17], $0x100  }
0x82: {  	s12 =	sshll.u32 s6, $0x8;
	s6 =	sshrl.u32 s26, $0xA;
	[sflag:s17] =	ssyncset.done @!p0 $0x0  }
0x83: {  	s13 =	simm.s32 @!p0 $0x7;
	s6 =	smul.u32 $0x6, s6;
	[sflag:s17] =	ssyncadd.s32 @!p0 $0xFFFFFF00  }
0x84: {  	p1 =	sne.s32 s10, $0x5A;
	s19 =	smov.u32 s9;
	_ =	swait.ge @!p0 [sflag:s13], $0x80  }
0x85: {  	s9 =	sadd.s32 $0x60, s9;
	s6 =	ssub.s32 s21, s6;
	[sflag:s13] =	ssyncset.done @!p0 $0x0  }
0x86: {  	s17 =	simm.s32 @!p0 $0x800;
	s6 =	sand.u32 $0xFF, s6;
	[sflag:s13] =	ssyncadd.s32 @!p0 $0xFFFFFF80  }
0x87: {  	[tilespmem:s17], [sflag:$0x1] =	stream.indirect.gather @!p0 [hbm4b:s1+s15], $0x80, s14, s15, $0xb8;
	[tilespmem:$0x1EC00] =	vst v63  }
0x88: {  	s6 =	sshll.u32 s6, $0x8;
	s17 =	sadd.s32 s7, s29;
	_ =	swait.ge [sflag:s25], $0x3800  }
0x89: {  	p0 =	seq.s32 s18, $0x57;
	s13 =	sor.u32 s20, s17;
	[sflag:s25] =	ssyncset.done $0x0  }
0x8a: {  	s14 =	sshrl.u32 @!p0 s11, $0x3;
	s13 =	sshrl.u32 s13, $0x3;
	[sflag:s25] =	ssyncadd.s32 $0xFFFFC800  }
0x8b: {  	[tilespmem:s12], [sflag:$0x6] =	stream.linear.gather [hbm4b:s16+s4], $0x100, $0x38;
	[tilespmem:$0x1EC00] =	vst v63  }
0x8c: {  	s15 =	simm.s32 @!p0 $0x70;
	s22 =	rddreg [dreg:$0x6];
	s13 =	sadd.s32 s5, s13  }
0x8d: {  	[tilespmem:s22], [sflag:$0x9] =	stream.linear.gather [hbm4b:s13+s4], $0x80, $0x38;
	[tilespmem:$0x1EC00] =	vst v63  }
0x8e: {  	s17 =	sadd.s32 @!p0 $0xFFFFFF80, s8;
	s29 =	simm.s32 @!p0 $0x600;
	_ =	swait.ge [sflag:s31], $0x100  }
0x8f: {  	s28 =	simm.s32 @p0 $0x2;
	s11 =	sadd.s32 $0x300, s11;
	[sflag:s31] =	ssyncset.done $0x0  }
0x90: {  	s20 =	sadd.s32 @!p0 s2, s14;
	s16 =	sadd.s32 $0x60, s16;
	[sflag:s31] =	ssyncadd.s32 $0xFFFFFF00  }
0x91: {  	s13 =	smul.u32 @!p0 $0xAB, s18;
	s22 =	sand.u32 @!p0 $0x7C00, s17;
	_ =	swait.ge [sflag:s0], $0x80  }
0x92: {  	s17 =	sand.u32 @!p0 $0x380, s17;
	s22 =	sadd.s32 @!p0 s7, s22;
	[sflag:s0] =	ssyncset.done $0x0  }
0x93: {  	s14 =	sadd.s32 @!p0 $0x201, s13;
	s26 =	rddreg [dreg:$0x7];
	[sflag:s0] =	ssyncadd.s32 $0xFFFFFF80  }
0x94: {  	[tilespmem:s26], [sflag:$0x2] =	stream.indirect.gather [hbm4b:s1+s30], $0x80, s6, s30, $0xb8;
	[tilespmem:$0x1EC00] =	vst v63  }
0x95: {  	s13 =	sadd.s32 @!p0 $0x2AC, s13;
	s17 =	sor.u32 @!p0 s17, s22;
	_ =	swait.ge [sflag:s24], $0x3800  }
0x96: {  	s22 =	simm.s32 @p0 $0x6;
	s14 =	sshrl.u32 @!p0 s14, $0xA;
	[sflag:s24] =	ssyncset.done $0x0  }
0x97: {  	s21 =	sshrl.u32 @!p0 s13, $0xA;
	s14 =	sand.u32 @!p0 $0x3F, s14;
	[sflag:s24] =	ssyncadd.s32 $0xFFFFC800  }
0x98: {  	s13 =	sand.u32 @!p0 $0x7C00, s8;
	s6 =	smul.u32 @!p0 $0x6, s14;
	_ =	swait.ge @p0 [sflag:s22], $0x100  }
0x99: {  	s14 =	sshrl.u32 @!p0 s17, $0x3;
	s17 =	simm.s32 @p0 $0x9;
	[sflag:s22] =	ssyncset.done @p0 $0x0  }
0x9a: {  	s26 =	sadd.s32 @!p0 s7, s13;
	s6 =	ssub.s32 @!p0 s18, s6;
	[sflag:s22] =	ssyncadd.s32 @p0 $0xFFFFFF00  }
0x9b: {  	s22 =	sadd.s32 @!p0 s5, s14;
	s14 =	sand.u32 @!p0 $0x380, s8;
	_ =	swait.ge @p0 [sflag:s17], $0x80  }
0x9c: {  	s6 =	sadd.s32 @!p0 $0x3, s6;
	s26 =	sor.u32 @!p0 s14, s26;
	[sflag:s17] =	ssyncset.done @p0 $0x0  }
0x9d: {  	s14 =	simm.s32 @p0 $0x70;
	[sflag:s17] =	ssyncadd.s32 @p0 $0xFFFFFF80;
	s17 =	simm.s32 @p0 $0x7800  }
0x9e: {  	[tilespmem:s17], [sflag:$0x3] =	stream.indirect.gather @p0 [hbm4b:s1+s14], $0x80, s12, s14, $0xb8;
	[tilespmem:$0x1EC00] =	vst v63  }
0x9f: {  	s13 =	simm.s32 @!p0 $0x0;
	s6 =	sand.u32 @!p0 $0xFF, s6;
	s14 =	sand.u32 @!p0 $0x3F, s21  }
0xa0: {  	s8 =	sadd.s32 $0x180, s8;
	_ =	swait.ge @p0 [sflag:s28], $0x3800;
	s17 =	smul.u32 @!p0 $0x6, s14  }
0xa1: {  	s21 =	simm.s32 @!p0 $0x7800;
	s14 =	sshll.u32 @!p0 s6, $0x8;
	[sflag:s28] =	ssyncset.done @p0 $0x0  }
0xa2: {  	[sflag:s28] =	ssyncadd.s32 @p0 $0xFFFFC800;
	s28 =	sadd.s32 $0x2, s3;
	s6 =	ssub.s32 @!p0 s18, s17  }
0xa3: {  	[tilespmem:s14], [sflag:$0x4] =	stream.linear.gather @!p0 [hbm4b:s20+s13], $0x100, $0x38;
	[tilespmem:$0x1EC00] =	vst v63  }
0xa4: {  	s17 =	sshrl.u32 @!p0 s26, $0x3;
	s26 =	smul.u32 $0xAB, s28;
	s20 =	simm.s32 @!p0 $0x6  }
0xa5: {  	[tilespmem:s29], [sflag:$0x7] =	stream.linear.gather @!p0 [hbm4b:s22+s13], $0x80, $0x38;
	[tilespmem:$0x1EC00] =	vst v63  }
.Ltmp1:
0xa6: {  	s6 =	sadd.s32 @!p0 $0x4, s6;
	_ =	swait.ge @!p0 [sflag:s20], $0x100;
	(pc) =	sbr.rel @p1 .LBB2_4-.Ltmp1, $4  }
0xa7: {  	s6 =	sand.u32 @!p0 $0xFF, s6;
	s18 =	sshrl.u32 s26, $0xA;
	[sflag:s20] =	ssyncset.done @!p0 $0x0  }
0xa8: {  	s26 =	sand.u32 $0x3F, s18;
	s18 =	simm.s32 @!p0 $0x9;
	[sflag:s20] =	ssyncadd.s32 @!p0 $0xFFFFFF00  }
0xa9: {  	s22 =	sshll.u32 @!p0 s6, $0x8;
	s20 =	sadd.s32 $0xFFFFFF00, s8;
	_ =	swait.ge @!p0 [sflag:s18], $0x80  }
0xaa: {  	s6 =	smul.u32 $0x6, s26;
	s29 =	sand.u32 $0x7C00, s20;
	[sflag:s18] =	ssyncset.done @!p0 $0x0  }
0xab: {  	[sflag:s18] =	ssyncadd.s32 @!p0 $0xFFFFFF80;
	s10 =	simm.s32 @!p0 $0x2  }
0xac: {  	[tilespmem:s21], [sflag:$0x3] =	stream.indirect.gather @!p0 [hbm4b:s1+s15], $0x80, s12, s15, $0xb8;
	[tilespmem:$0x1EC00] =	vst v63  }
0xad: {  	_ =	swait.ge @!p0 [sflag:s10], $0x3800  }
0xae: {  	[sflag:s10] =	ssyncset.done @!p0 $0x0  }
0xaf: {  	[sflag:s10] =	ssyncadd.s32 @!p0 $0xFFFFC800  }
0xb0: {  	[tilespmem:s22], [sflag:$0x5] =	stream.linear.gather @!p0 [hbm4b:s19+s13], $0x100, $0x38;
	[tilespmem:$0x1EC00] =	vst v63  }
0xb1: {  	s12 =	simm.s32 @!p0 $0x680;
	s10 =	sadd.s32 @!p0 s5, s17  }
0xb2: {  	[tilespmem:s12], [sflag:$0x8] =	stream.linear.gather @!p0 [hbm4b:s10+s13], $0x80, $0x38;
	[tilespmem:$0x1EC00] =	vst v63  }
0xb3: {  	s10 =	simm.s32 @!p0 $0x4  }
0xb4: {  	_ =	swait.ge @!p0 [sflag:s10], $0x100  }
0xb5: {  	[sflag:s10] =	ssyncset.done @!p0 $0x0  }
0xb6: {  	[sflag:s10] =	ssyncadd.s32 @!p0 $0xFFFFFF00;
	s10 =	simm.s32 @!p0 $0x7  }
0xb7: {  	_ =	swait.ge @!p0 [sflag:s10], $0x80  }
0xb8: {  	s6 =	ssub.s32 s28, s6;
	s28 =	sadd.s32 $0x1, s3;
	[sflag:s10] =	ssyncset.done @!p0 $0x0  }
0xb9: {  	s6 =	sand.u32 $0xFF, s6;
	[sflag:s10] =	ssyncadd.s32 @!p0 $0xFFFFFF80;
	s10 =	simm.s32 @!p0 $0x800  }
0xba: {  	[tilespmem:s10], [sflag:$0x1] =	stream.indirect.gather @!p0 [hbm4b:s1+s15], $0x80, s14, s15, $0xb8;
	[tilespmem:$0x1EC00] =	vst v63  }
0xbb: {  	s14 =	sand.u32 $0x380, s20;
	s15 =	sadd.s32 s7, s29;
	_ =	swait.ge [sflag:s25], $0x3800  }
0xbc: {  	s10 =	sshll.u32 s6, $0x8;
	s6 =	sor.u32 s14, s15;
	[sflag:s25] =	ssyncset.done $0x0  }
0xbd: {  	s18 =	sand.u32 $0xFF, s28;
	s6 =	sshrl.u32 s6, $0x3;
	[sflag:s25] =	ssyncadd.s32 $0xFFFFC800  }
0xbe: {  	[tilespmem:s10], [sflag:$0x6] =	stream.linear.gather [hbm4b:s16+s4], $0x100, $0x38;
	[tilespmem:$0x1EC00] =	vst v63  }
0xbf: {  	s14 =	smul.u32 $0xAB, s18;
	s17 =	rddreg [dreg:$0x6];
	s6 =	sadd.s32 s5, s6  }
0xc0: {  	[tilespmem:s17], [sflag:$0x9] =	stream.linear.gather [hbm4b:s6+s4], $0x80, $0x38;
	[tilespmem:$0x1EC00] =	vst v63  }
0xc1: {  	s19 =	sshrl.u32 s14, $0xA;
	_ =	swait.ge [sflag:s31], $0x100  }
0xc2: {  	s6 =	smul.u32 $0x6, s19;
	[sflag:s31] =	ssyncset.done $0x0  }
0xc3: {  	[sflag:s31] =	ssyncadd.s32 $0xFFFFFF00  }
0xc4: {  	s6 =	ssub.s32 s28, s6;
	_ =	swait.ge [sflag:s0], $0x80  }
0xc5: {  	s6 =	sand.u32 $0xFF, s6;
	[sflag:s0] =	ssyncset.done $0x0  }
0xc6: {  	s6 =	sshll.u32 s6, $0x8;
	s20 =	rddreg [dreg:$0x7];
	[sflag:s0] =	ssyncadd.s32 $0xFFFFFF80  }
0xc7: {  	[tilespmem:s20], [sflag:$0x2] =	stream.indirect.gather [hbm4b:s1+s30], $0x80, s6, s30, $0xb8;
	[tilespmem:$0x1EC00] =	vst v63  }
0xc8: {  	_ =	swait.ge [sflag:s24], $0x3800  }
0xc9: {  	p0 =	seq.s32 s3, $0x57;
	[sflag:s24] =	ssyncset.done $0x0  }
0xca: {  	s6 =	simm.s32 @p0 $0x6;
	[sflag:s24] =	ssyncadd.s32 $0xFFFFC800  }
0xcb: {  	_ =	swait.ge @p0 [sflag:s6], $0x100  }
0xcc: {  	[sflag:s6] =	ssyncset.done @p0 $0x0  }
0xcd: {  	s12 =	smul.u32 @!p0 $0xAB, s3;
	s13 =	simm.s32 @p0 $0x9;
	[sflag:s6] =	ssyncadd.s32 @p0 $0xFFFFFF00  }
0xce: {  	_ =	swait.ge @p0 [sflag:s13], $0x80  }
0xcf: {  	s14 =	simm.s32 @p0 $0x7800;
	s6 =	sadd.s32 @!p0 $0x201, s12;
	[sflag:s13] =	ssyncset.done @p0 $0x0  }
0xd0: {  	s6 =	sshrl.u32 @!p0 s6, $0xA;
	[sflag:s13] =	ssyncadd.s32 @p0 $0xFFFFFF80;
	s13 =	simm.s32 @p0 $0x70  }
0xd1: {  	[tilespmem:s14], [sflag:$0x3] =	stream.indirect.gather @p0 [hbm4b:s1+s13], $0x80, s10, s13, $0xb8;
	[tilespmem:$0x1EC00] =	vst v63  }
0xd2: {  	s6 =	sand.u32 @!p0 $0x3F, s6;
	s13 =	sadd.s32 @!p0 $0xFFFFFF80, s8  }
0xd3: {  	s6 =	smul.u32 @!p0 $0x6, s6;
	s14 =	sand.u32 @!p0 $0x7C00, s13  }
0xd4: {  	s11 =	sshrl.u32 @!p0 s11, $0x3;
	s13 =	sand.u32 @!p0 $0x380, s13;
	s14 =	sadd.s32 @!p0 s7, s14  }
0xd5: {  	s6 =	ssub.s32 @!p0 s3, s6;
	s13 =	sor.u32 @!p0 s13, s14;
	s14 =	simm.s32 @p0 $0x2  }
0xd6: {  	s11 =	sadd.s32 @!p0 s2, s11;
	s6 =	sadd.s32 @!p0 $0x3, s6;
	_ =	swait.ge @p0 [sflag:s14], $0x3800  }
0xd7: {  	s6 =	sand.u32 @!p0 $0xFF, s6;
	s13 =	sshrl.u32 @!p0 s13, $0x3;
	[sflag:s14] =	ssyncset.done @p0 $0x0  }
0xd8: {  	s6 =	sshll.u32 @!p0 s6, $0x8;
	[sflag:s14] =	ssyncadd.s32 @p0 $0xFFFFC800;
	s14 =	simm.s32 @!p0 $0x0  }
0xd9: {  	[tilespmem:s6], [sflag:$0x4] =	stream.linear.gather @!p0 [hbm4b:s11+s14], $0x100, $0x38;
	[tilespmem:$0x1EC00] =	vst v63  }
0xda: {  	s11 =	sadd.s32 @!p0 s5, s13;
	s13 =	simm.s32 @!p0 $0x600  }
0xdb: {  	[tilespmem:s13], [sflag:$0x7] =	stream.linear.gather @!p0 [hbm4b:s11+s14], $0x80, $0x38;
	[tilespmem:$0x1EC00] =	vst v63  }
0xdc: {  	s11 =	simm.s32 @!p0 $0x6  }
0xdd: {  	_ =	swait.ge @!p0 [sflag:s11], $0x100  }
0xde: {  	s12 =	sadd.s32 @!p0 $0x2AC, s12;
	[sflag:s11] =	ssyncset.done @!p0 $0x0  }
0xdf: {  	s12 =	sshrl.u32 @!p0 s12, $0xA;
	[sflag:s11] =	ssyncadd.s32 @!p0 $0xFFFFFF00;
	s11 =	simm.s32 @!p0 $0x9  }
0xe0: {  	s12 =	sand.u32 @!p0 $0x3F, s12;
	_ =	swait.ge @!p0 [sflag:s11], $0x80  }
0xe1: {  	s12 =	smul.u32 @!p0 $0x6, s12;
	[sflag:s11] =	ssyncset.done @!p0 $0x0  }
0xe2: {  	s13 =	simm.s32 @!p0 $0x70;
	[sflag:s11] =	ssyncadd.s32 @!p0 $0xFFFFFF80;
	s11 =	simm.s32 @!p0 $0x7800  }
0xe3: {  	[tilespmem:s11], [sflag:$0x3] =	stream.indirect.gather @!p0 [hbm4b:s1+s13], $0x80, s10, s13, $0xb8;
	[tilespmem:$0x1EC00] =	vst v63  }
0xe4: {  	s3 =	ssub.s32 @!p0 s3, s12;
	s10 =	simm.s32 @!p0 $0x2  }
0xe5: {  	s3 =	sadd.s32 @!p0 $0x4, s3;
	_ =	swait.ge @!p0 [sflag:s10], $0x3800  }
0xe6: {  	s3 =	sand.u32 @!p0 $0xFF, s3;
	[sflag:s10] =	ssyncset.done @!p0 $0x0  }
0xe7: {  	s3 =	sshll.u32 @!p0 s3, $0x8;
	[sflag:s10] =	ssyncadd.s32 @!p0 $0xFFFFC800  }
0xe8: {  	[tilespmem:s3], [sflag:$0x5] =	stream.linear.gather @!p0 [hbm4b:s9+s14], $0x100, $0x38;
	[tilespmem:$0x1EC00] =	vst v63  }
0xe9: {  	s3 =	sand.u32 @!p0 $0x7C00, s8  }
0xea: {  	s8 =	sand.u32 @!p0 $0x380, s8;
	s3 =	sadd.s32 @!p0 s7, s3  }
0xeb: {  	s3 =	sor.u32 @!p0 s8, s3  }
0xec: {  	s3 =	sshrl.u32 @!p0 s3, $0x3  }
0xed: {  	s8 =	simm.s32 @!p0 $0x680;
	s3 =	sadd.s32 @!p0 s5, s3  }
0xee: {  	[tilespmem:s8], [sflag:$0x8] =	stream.linear.gather @!p0 [hbm4b:s3+s14], $0x80, $0x38;
	[tilespmem:$0x1EC00] =	vst v63  }
0xef: {  	s3 =	simm.s32 @!p0 $0x4  }
0xf0: {  	_ =	swait.ge @!p0 [sflag:s3], $0x100  }
0xf1: {  	[sflag:s3] =	ssyncset.done @!p0 $0x0  }
0xf2: {  	[sflag:s3] =	ssyncadd.s32 @!p0 $0xFFFFFF00;
	s3 =	simm.s32 @!p0 $0x7  }
0xf3: {  	_ =	swait.ge @!p0 [sflag:s3], $0x80  }
0xf4: {  	[sflag:s3] =	ssyncset.done @!p0 $0x0  }
0xf5: {  	[sflag:s3] =	ssyncadd.s32 @!p0 $0xFFFFFF80;
	s3 =	simm.s32 @!p0 $0x800  }
0xf6: {  	[tilespmem:s3], [sflag:$0x1] =	stream.indirect.gather @!p0 [hbm4b:s1+s13], $0x80, s6, s13, $0xb8;
	[tilespmem:$0x1EC00] =	vst v63  }
0xf7: {  	_ =	swait.ge [sflag:s25], $0x3800  }
0xf8: {  	[sflag:s25] =	ssyncset.done $0x0  }
0xf9: {  	[sflag:s25] =	ssyncadd.s32 $0xFFFFC800  }
0xfa: {  	s21 =	stileid.u32;
	[bflag:$0x0] =	sbarrier.arrive $0xFFFF  }
0xfb: {  	s3 =	sshll.u32 s21, $0x6;
	s13 =	rddreg [dreg:$0x8]  }
0xfc: {  	s3 =	sor.u32 $0x1C0A, s3;
	s26 =	rddreg [dreg:$0x12];
	s22 =	sshrl.u32 s13, $0x3  }
0xfd: {  	[hbm:s26], [sflag:s3] =	dma.local [spmem:s22], $0x2780  }
0xfe: {  	_ =	swait.ge [sflag:s23], $0x2780  }
0xff: {  	s28 =	rddreg [dreg:$0x17]  }
0x100: {  	s29 =	rddreg [dreg:$0x13];
	s6 =	sadd.s32 $0x1, s28  }
0x101: {  	p0 =	sne.s32 s6, s29  }
.Ltmp2:
0x102: {  	_ = 	snop;
	(pc) =	sbr.rel @p0 .LBB2_1-.Ltmp2, $3  }
0x103: {  	_ =	sdelay $0x1  }
0x104: {  	[sflag:s23] =	ssyncset.done $0x0  }
0x105: {  	[sflag:s23] =	ssyncadd.s32 $0xFFFFD880  }
0x106: {  	_ =	sfence.sel $0x180000  }
0x107: {  	[bflag:$0x0] =	sbarrier.arrive $0xFFFF  }
0x108: {  	_ =	strace $0x90000047  }
0x109: {  	s0 =	stileid.u32;
	[bflag:$0x2] =	sbarrier.arrive $0xFFFF  }
0x10a: {  	p0 =	sne.s32 s0, $0x0;
	s0 =	rddreg [dreg:$0x5]  }
0x10b: {  	s0 =	sadd.s32 @!p0 $0x100000, s0  }
0x10c: {  	[sflag:s0] =	ssyncadd.tile.s32 @!p0 $0x1;
	_ =	shalt  }
.Lfunc_end2:
_tile_overlayer_lowered:
.L_overlay_start_2:
0x10d: {  	(tag) =	ssettag $0x2  }
0x10e: {  	s0 =	rddreg [dreg:$0x0];
	s2 =	stileid.u32  }
0x10f: {  	s1 =	rddreg [dreg:$0x1];
	p0 =	sne.s32 s2, $0x0  }
0x110: {  	s3 =	rddreg [dreg:$0x2];
	[bflag:$0x3] =	sbarrier.arrive $0xFFFF;
	s2 =	simm.s32 @!p0 $0x1C0A  }
0x111: {  	[timem:s3], [sflag:s2] =	dma.local @!p0 [hbm:s0], s1  }
0x112: {  	s0 =	simm.s32 @!p0 $0xA  }
0x113: {  	_ =	swait.ge @!p0 [sflag:s0], s1  }
0x114: {  	s1 =	ssub.s32 @!p0 $0x0, s1;
	[sflag:s0] =	ssyncset.done @!p0 $0x0  }
0x115: {  	[sflag:s0] =	ssyncadd.s32 @!p0 s1  }
0x116: {  	[bflag:$0x3] =	sbarrier.arrive $0xFFFF  }
0x117: {  	_ =	shalt  }

</sc_bundles>
